<compile_context>
chip_gen: v7x
topology: tpu7x:2x2x1
jax: 0.10.2.dev20260603
libtpu: 0.0.44.dev20260713+nightly
codegen_flags: <defaults>
</compile_context>

<pallas_src>
import functools

import jax
import jax.numpy as jnp
from jax import lax
from jax.experimental import pallas as pl
from jax.experimental.pallas import tpu as pltpu
from jax.experimental.pallas import tpu_sc as plsc

LANES = 16
NC = 2
NS = 16
NW = NC * NS
NBUF = 2
IDX_BITS = 20


@functools.lru_cache(maxsize=None)
def _build(n_tok, vocab, emb, n_pb, pb_w):
    out_w = emb + pb_w
    out_pitch = (out_w + 127) // 128 * 128
    pb_pad = (pb_w + 7) // 8 * 8
    chunk = 512
    assert n_tok % (NW * chunk * NBUF) == 0 and chunk % 128 == 0
    tok_per_w = n_tok // NW
    n_chunks = tok_per_w // chunk

    mesh = plsc.VectorSubcoreMesh(core_axis_name="c", subcore_axis_name="s")

    per_buf = [
        pltpu.VMEM((chunk // 128, 128), jnp.float32),
        pltpu.VMEM((chunk,), jnp.int32),
        pltpu.VMEM((chunk,), jnp.int32),
        pltpu.VMEM((chunk, emb), jnp.float32),
        pltpu.VMEM((chunk, pb_pad), jnp.float32),
        pltpu.SemaphoreType.DMA,
        pltpu.SemaphoreType.DMA,
        pltpu.SemaphoreType.DMA,
    ]

    @functools.partial(
        pl.kernel,
        mesh=mesh,
        out_type=jax.ShapeDtypeStruct((n_tok, out_pitch), jnp.float32),
        compiler_params=pltpu.CompilerParams(
            needs_layout_passes=False, use_tc_tiling_on_sc=False),
        scratch_types=[
            pltpu.VMEM((n_pb, pb_pad), jnp.float32),
        ] + list(per_buf) * NBUF,
    )
    def sc_kernel(packed_hbm, pbtab_hbm, table_hbm, out_hbm, pbtab_v,
                  *bufs):
        wid = lax.axis_index("s") * NC + lax.axis_index("c")
        base = wid * tok_per_w
        pltpu.sync_copy(pbtab_hbm, pbtab_v)
        iota = lax.iota(jnp.int32, LANES)
        nb = len(per_buf)

        def do_chunk(g, b, drain):
            pk_v, idx_v, code_v, word_v, pb_v, gsem, wsem, psem = (
                bufs[b * nb:(b + 1) * nb])
            cb = base + (g * NBUF + b) * chunk
            word_dst = out_hbm.at[pl.ds(cb, chunk), pl.ds(0, emb)]
            pb_dst = out_hbm.at[pl.ds(cb, chunk), pl.ds(emb, pb_pad)]

            @pl.when(drain)
            def _():
                pltpu.make_async_copy(word_v, word_dst, wsem).wait()
                pltpu.make_async_copy(pb_v, pb_dst, psem).wait()

            pltpu.sync_copy(
                packed_hbm.at[pl.ds(cb // 128, chunk // 128)], pk_v)

            def unpack_body(t, c):
                r = t // (128 // LANES)
                col = (t % (128 // LANES)) * LANES
                pk = plsc.bitcast(pk_v[r, pl.ds(col, LANES)], jnp.int32)
                idx_v[pl.ds(t * LANES, LANES)] = pk & ((1 << IDX_BITS) - 1)
                code_v[pl.ds(t * LANES, LANES)] = (
                    lax.shift_right_logical(pk, IDX_BITS))
                return c

            lax.fori_loop(0, chunk // LANES, unpack_body, 0)
            wcp = pltpu.async_copy(table_hbm.at[idx_v], word_v, gsem)

            def fill_body(t, c):
                rows = t * LANES + iota
                codes = code_v[pl.ds(t * LANES, LANES)]
                for col in range(pb_w):
                    vals = plsc.load_gather(
                        pbtab_v,
                        [codes, jnp.full((LANES,), col, jnp.int32)])
                    plsc.store_scatter(
                        pb_v, [rows, jnp.full((LANES,), col, jnp.int32)],
                        vals)
                return c

            lax.fori_loop(0, chunk // LANES, fill_body, 0)
            pltpu.async_copy(pb_v, pb_dst, psem)
            wcp.wait()
            pltpu.async_copy(word_v, word_dst, wsem)

        def pair_body(g, carry):
            for b in range(NBUF):
                do_chunk(g, b, g > 0)
            return carry

        lax.fori_loop(0, n_chunks // NBUF, pair_body, 0)
        for b in range(NBUF):
            pk_v, idx_v, code_v, word_v, pb_v, gsem, wsem, psem = (
                bufs[b * nb:(b + 1) * nb])
            cb = base + (n_chunks - NBUF + b) * chunk
            pltpu.make_async_copy(
                word_v, out_hbm.at[pl.ds(cb, chunk), pl.ds(0, emb)],
                wsem).wait()
            pltpu.make_async_copy(
                pb_v, out_hbm.at[pl.ds(cb, chunk), pl.ds(emb, pb_pad)],
                psem).wait()

    return sc_kernel


def kernel(sentence, features, embedding_matrix, pos_table, bio_table):
    n_b, n_l = sentence.shape
    vocab, emb = embedding_matrix.shape
    n_pos, pos_w = pos_table.shape
    n_bio, bio_w = bio_table.shape
    n_tok = n_b * n_l
    assert vocab <= (1 << IDX_BITS)
    assert n_pos * n_bio <= (1 << (31 - IDX_BITS))
    code = features[..., 0] * n_bio + features[..., 1]
    packed = lax.bitcast_convert_type(
        (sentence | (code << IDX_BITS)).reshape(n_tok // 128, 128),
        jnp.float32)
    pb_w = pos_w + bio_w
    pb_pad = (pb_w + 7) // 8 * 8
    pbtab = jnp.concatenate(
        [jnp.repeat(pos_table, n_bio, axis=0),
         jnp.tile(bio_table, (n_pos, 1)),
         jnp.zeros((n_pos * n_bio, pb_pad - pb_w), jnp.float32)], axis=1)
    fn = _build(n_tok, vocab, emb, n_pos * n_bio, pb_w)
    out = fn(packed, pbtab, embedding_matrix)
    return out[:, :emb + pb_w].reshape(n_b, n_l, emb + pb_w)

# --- scband reference (transcript-rebuilt; emitter-appended) ---
"""Pipeline reference for scband-embedding-33268816675338 (READ-ONLY COPY).

The authoritative reference and input builder live on the scoring server;
editing this copy changes nothing except your own understanding.
"""

import jax, jax.numpy as jnp
import numpy as np

VOCAB = 1000000
EMB = 64
NB_POS = 50
NB_BIO = 10
B = 4096
L = 200


def setup_inputs(seed: int = 0) -> dict:
    key = jax.random.key(seed)
    k1, k2, k3, k4, k5 = jax.random.split(key, 5)
    sentence = jax.random.randint(k1, (B, L), 0, VOCAB, dtype=jnp.int32)
    features = jax.random.randint(k2, (B, L, 2), 0, NB_BIO, dtype=jnp.int32)
    embedding_matrix = jax.random.normal(k3, (VOCAB, EMB), dtype=jnp.float32) * 0.05
    pos_table = jax.random.normal(k4, (NB_POS, 16), dtype=jnp.float32) * 0.05
    bio_table = jax.random.normal(k5, (NB_BIO, 3), dtype=jnp.float32) * 0.05
    return {
        "sentence": sentence,
        "features": features,
        "embedding_matrix": embedding_matrix,
        "pos_table": pos_table,
        "bio_table": bio_table,
    }


def reference(sentence, features, embedding_matrix, pos_table, bio_table):
    # word embeddings: tf.nn.embedding_lookup(embedding_matrix, sentence)
    word_embeddings = jnp.take(embedding_matrix, sentence, axis=0)
    # pos embeddings from features[..., 0]
    pos_embds = jnp.take(pos_table, features[..., 0], axis=0)
    # bio embeddings from features[..., 1]
    bio_embds = jnp.take(bio_table, features[..., 1], axis=0)
    return jnp.concatenate((word_embeddings, pos_embds, bio_embds), axis=-1)

if __name__ == "__main__":
    import jax
    _d = setup_inputs()
    print(jax.jit(kernel)(*tuple(_d.values())))

</pallas_src>

<mosaic_0001>
#map = affine_map<(d0, d1) -> (0, 0)>
module attributes {stable_mosaic.version = 14 : i64} {
  func.func @sc_kernel(%arg0: i32, %arg1: i32, %arg2: memref<6400x128xf32, #tpu.memory_space<hbm>>, %arg3: memref<500x24xf32, #tpu.memory_space<hbm>>, %arg4: memref<1000000x64xf32, #tpu.memory_space<hbm>>, %arg5: memref<819200x128xf32, #tpu.memory_space<hbm>>, %arg6: memref<500x24xf32, #tpu.memory_space<vmem>>, %arg7: memref<4x128xf32, #tpu.memory_space<vmem>>, %arg8: memref<512xi32, #tpu.memory_space<vmem>>, %arg9: memref<512xi32, #tpu.memory_space<vmem>>, %arg10: memref<512x64xf32, #tpu.memory_space<vmem>>, %arg11: memref<512x24xf32, #tpu.memory_space<vmem>>, %arg12: memref<!tpu.dma_semaphore, #tpu.memory_space<semaphore_mem>>, %arg13: memref<!tpu.dma_semaphore, #tpu.memory_space<semaphore_mem>>, %arg14: memref<!tpu.dma_semaphore, #tpu.memory_space<semaphore_mem>>, %arg15: memref<4x128xf32, #tpu.memory_space<vmem>>, %arg16: memref<512xi32, #tpu.memory_space<vmem>>, %arg17: memref<512xi32, #tpu.memory_space<vmem>>, %arg18: memref<512x64xf32, #tpu.memory_space<vmem>>, %arg19: memref<512x24xf32, #tpu.memory_space<vmem>>, %arg20: memref<!tpu.dma_semaphore, #tpu.memory_space<semaphore_mem>>, %arg21: memref<!tpu.dma_semaphore, #tpu.memory_space<semaphore_mem>>, %arg22: memref<!tpu.dma_semaphore, #tpu.memory_space<semaphore_mem>>) attributes {dimension_semantics = [#tpu.dimension_semantics<core_parallel>, #tpu.dimension_semantics<subcore_parallel>], iteration_bounds = array<i64: 2, 16>, scalar_prefetch = 0 : i64, scratch_operands = 17 : i64, tpu.core_type = #tpu.core_type<sc_vector_subcore>, window_params = [{transform_indices = #map}, {transform_indices = #map}, {transform_indices = #map}, {transform_indices = #map}]} {
    %mul3A = arith.constant 2 : i32
    %mul3A_0 = arith.muli %arg1, %mul3A : i32
    %add3A = arith.addi %mul3A_0, %arg0 : i32
    %mul3A_1 = arith.constant 25600 : i32
    %mul3A_2 = arith.muli %add3A, %mul3A_1 : i32
    "tpu.region"() ({
      %run_scoped3A = tpu.sem_alloc : memref<!tpu.dma_semaphore, #tpu.memory_space<semaphore_mem>>
      tpu.enqueue_dma source(%arg3 : memref<500x24xf32, #tpu.memory_space<hbm>>) target(%arg6 : memref<500x24xf32, #tpu.memory_space<vmem>>) target_semaphore(%run_scoped3A : memref<!tpu.dma_semaphore, #tpu.memory_space<semaphore_mem>>)
      tpu.wait_dma2 semaphore(%run_scoped3A : memref<!tpu.dma_semaphore, #tpu.memory_space<semaphore_mem>>) src(%arg3 : memref<500x24xf32, #tpu.memory_space<hbm>>) dst(%arg6 : memref<500x24xf32, #tpu.memory_space<vmem>>)
      tpu.yield
    }) : () -> ()
    %iota3A = tpu.iota {dimensions = array<i32: 0>} : vector<16xi32>
    %scan3A = arith.constant 0 : i32
    %scan3A_3 = arith.constant 0 : i32
    %scan3A_4 = arith.constant 25 : i32
    %scan3A_5 = arith.addi %scan3A_3, %scan3A_4 : i32
    %scan3A_6 = arith.constant 1 : i32
    scf.for %scan3A_27 = %scan3A_3 to %scan3A_5 step %scan3A_6  : i32 {
      %gt3A = arith.constant 0 : i32
      %gt3A_28 = arith.cmpi sgt, %scan3A_27, %gt3A : i32
      %mul3A_29 = arith.constant 2 : i32
      %mul3A_30 = arith.muli %scan3A_27, %mul3A_29 : i32
      %add3A_31 = arith.constant 0 : i32
      %add3A_32 = arith.addi %mul3A_30, %add3A_31 : i32
      %mul3A_33 = arith.constant 512 : i32
      %mul3A_34 = arith.muli %add3A_32, %mul3A_33 : i32
      %add3A_35 = arith.addi %mul3A_2, %mul3A_34 : i32
      %convert_element_type3A = arith.extui %gt3A_28 : i1 to i32
      %cond3A = arith.constant 0 : i32
      %cond3A_36 = arith.cmpi ne, %convert_element_type3A, %cond3A : i32
      scf.if %cond3A_36 {
        %dma_wait3A_140 = arith.constant 0 : i32
        %dma_wait3A_141 = tpu.memref_slice %arg5[%add3A_35, %dma_wait3A_140] : memref<819200x128xf32, #tpu.memory_space<hbm>> -> memref<512x64xf32, #tpu.memory_space<hbm>>
        %dma_wait3A_142 = arith.constant 0 : i32
        %dma_wait3A_143 = tpu.memref_slice %arg5[%add3A_35, %dma_wait3A_142] : memref<819200x128xf32, #tpu.memory_space<hbm>> -> memref<512x64xf32, #tpu.memory_space<hbm>>
        tpu.wait_dma2 semaphore(%arg13 : memref<!tpu.dma_semaphore, #tpu.memory_space<semaphore_mem>>) src(%arg10 : memref<512x64xf32, #tpu.memory_space<vmem>>) dst(%dma_wait3A_143 : memref<512x64xf32, #tpu.memory_space<hbm>>)
        %dma_wait3A_144 = arith.constant 64 : i32
        %dma_wait3A_145 = tpu.memref_slice %arg5[%add3A_35, %dma_wait3A_144] : memref<819200x128xf32, #tpu.memory_space<hbm>> -> memref<512x24xf32, #tpu.memory_space<hbm>>
        %dma_wait3A_146 = arith.constant 64 : i32
        %dma_wait3A_147 = tpu.memref_slice %arg5[%add3A_35, %dma_wait3A_146] : memref<819200x128xf32, #tpu.memory_space<hbm>> -> memref<512x24xf32, #tpu.memory_space<hbm>>
        tpu.wait_dma2 semaphore(%arg14 : memref<!tpu.dma_semaphore, #tpu.memory_space<semaphore_mem>>) src(%arg11 : memref<512x24xf32, #tpu.memory_space<vmem>>) dst(%dma_wait3A_147 : memref<512x24xf32, #tpu.memory_space<hbm>>)
      } else {
      }
      %jit3A = arith.constant 128 : i32
      %div3A = arith.divsi %add3A_35, %jit3A : i32
      %sign3A = arith.constant 0 : i32
      %sign3A_37 = arith.cmpi sgt, %add3A_35, %sign3A : i32
      %sign3A_38 = arith.extui %sign3A_37 : i1 to i32
      %sign3A_39 = arith.constant 0 : i32
      %sign3A_40 = arith.cmpi slt, %add3A_35, %sign3A_39 : i32
      %sign3A_41 = arith.extui %sign3A_40 : i1 to i32
      %sign3A_42 = arith.subi %sign3A_38, %sign3A_41 : i32
      %sign3A_43 = arith.constant 0 : i32
      %sign3A_44 = arith.cmpi sgt, %jit3A, %sign3A_43 : i32
      %sign3A_45 = arith.extui %sign3A_44 : i1 to i32
      %sign3A_46 = arith.constant 0 : i32
      %sign3A_47 = arith.cmpi slt, %jit3A, %sign3A_46 : i32
      %sign3A_48 = arith.extui %sign3A_47 : i1 to i32
      %sign3A_49 = arith.subi %sign3A_45, %sign3A_48 : i32
      %ne3A = arith.cmpi ne, %sign3A_42, %sign3A_49 : i32
      %rem3A = arith.remsi %add3A_35, %jit3A : i32
      %ne3A_50 = arith.constant 0 : i32
      %ne3A_51 = arith.cmpi ne, %rem3A, %ne3A_50 : i32
      %and3A = arith.andi %ne3A, %ne3A_51 : i1
      %sub3A = arith.constant 1 : i32
      %sub3A_52 = arith.subi %div3A, %sub3A : i32
      %select_n3A = arith.select %and3A, %sub3A_52, %div3A : i32
      "tpu.region"() ({
        %run_scoped3A = tpu.sem_alloc : memref<!tpu.dma_semaphore, #tpu.memory_space<semaphore_mem>>
        %dma_start3A_140 = arith.constant 0 : i32
        %dma_start3A_141 = tpu.memref_slice %arg2[%select_n3A, %dma_start3A_140] : memref<6400x128xf32, #tpu.memory_space<hbm>> -> memref<4x128xf32, #tpu.memory_space<hbm>>
        %dma_start3A_142 = arith.constant 0 : i32
        %dma_start3A_143 = tpu.memref_slice %arg2[%select_n3A, %dma_start3A_142] : memref<6400x128xf32, #tpu.memory_space<hbm>> -> memref<4x128xf32, #tpu.memory_space<hbm>>
        tpu.enqueue_dma source(%dma_start3A_143 : memref<4x128xf32, #tpu.memory_space<hbm>>) target(%arg7 : memref<4x128xf32, #tpu.memory_space<vmem>>) target_semaphore(%run_scoped3A : memref<!tpu.dma_semaphore, #tpu.memory_space<semaphore_mem>>)
        %dma_wait3A_144 = arith.constant 0 : i32
        %dma_wait3A_145 = tpu.memref_slice %arg2[%select_n3A, %dma_wait3A_144] : memref<6400x128xf32, #tpu.memory_space<hbm>> -> memref<4x128xf32, #tpu.memory_space<hbm>>
        %dma_wait3A_146 = arith.constant 0 : i32
        %dma_wait3A_147 = tpu.memref_slice %arg2[%select_n3A, %dma_wait3A_146] : memref<6400x128xf32, #tpu.memory_space<hbm>> -> memref<4x128xf32, #tpu.memory_space<hbm>>
        tpu.wait_dma2 semaphore(%run_scoped3A : memref<!tpu.dma_semaphore, #tpu.memory_space<semaphore_mem>>) src(%dma_wait3A_147 : memref<4x128xf32, #tpu.memory_space<hbm>>) dst(%arg7 : memref<4x128xf32, #tpu.memory_space<vmem>>)
        tpu.yield
      }) : () -> ()
      %scan3A_53 = arith.constant 0 : i32
      %scan3A_54 = arith.constant 0 : i32
      %scan3A_55 = arith.constant 32 : i32
      %scan3A_56 = arith.addi %scan3A_54, %scan3A_55 : i32
      %scan3A_57 = arith.constant 1 : i32
      scf.for %scan3A_140 = %scan3A_54 to %scan3A_56 step %scan3A_57  : i32 {
        %jit3A_141 = arith.constant 8 : i32
        %div3A_142 = arith.divsi %scan3A_140, %jit3A_141 : i32
        %sign3A_143 = arith.constant 0 : i32
        %sign3A_144 = arith.cmpi sgt, %scan3A_140, %sign3A_143 : i32
        %sign3A_145 = arith.extui %sign3A_144 : i1 to i32
        %sign3A_146 = arith.constant 0 : i32
        %sign3A_147 = arith.cmpi slt, %scan3A_140, %sign3A_146 : i32
        %sign3A_148 = arith.extui %sign3A_147 : i1 to i32
        %sign3A_149 = arith.subi %sign3A_145, %sign3A_148 : i32
        %sign3A_150 = arith.constant 0 : i32
        %sign3A_151 = arith.cmpi sgt, %jit3A_141, %sign3A_150 : i32
        %sign3A_152 = arith.extui %sign3A_151 : i1 to i32
        %sign3A_153 = arith.constant 0 : i32
        %sign3A_154 = arith.cmpi slt, %jit3A_141, %sign3A_153 : i32
        %sign3A_155 = arith.extui %sign3A_154 : i1 to i32
        %sign3A_156 = arith.subi %sign3A_152, %sign3A_155 : i32
        %ne3A_157 = arith.cmpi ne, %sign3A_149, %sign3A_156 : i32
        %rem3A_158 = arith.remsi %scan3A_140, %jit3A_141 : i32
        %ne3A_159 = arith.constant 0 : i32
        %ne3A_160 = arith.cmpi ne, %rem3A_158, %ne3A_159 : i32
        %and3A_161 = arith.andi %ne3A_157, %ne3A_160 : i1
        %sub3A_162 = arith.constant 1 : i32
        %sub3A_163 = arith.subi %div3A_142, %sub3A_162 : i32
        %select_n3A_164 = arith.select %and3A_161, %sub3A_163, %div3A_142 : i32
        %jit3A_165 = arith.constant 8 : i32
        %eq3A = arith.constant 0 : i32
        %eq3A_166 = arith.cmpi eq, %jit3A_165, %eq3A : i32
        %jit3A_167 = arith.constant 1 : i32
        %select_n3A_168 = arith.select %eq3A_166, %jit3A_167, %jit3A_165 : i32
        %rem3A_169 = arith.remsi %scan3A_140, %select_n3A_168 : i32
        %ne3A_170 = arith.constant 0 : i32
        %ne3A_171 = arith.cmpi ne, %rem3A_169, %ne3A_170 : i32
        %lt3A = arith.constant 0 : i32
        %lt3A_172 = arith.cmpi slt, %rem3A_169, %lt3A : i32
        %lt3A_173 = arith.constant 0 : i32
        %lt3A_174 = arith.cmpi slt, %select_n3A_168, %lt3A_173 : i32
        %ne3A_175 = arith.xori %lt3A_172, %lt3A_174 : i1
        %and3A_176 = arith.andi %ne3A_175, %ne3A_171 : i1
        %add3A_177 = arith.addi %rem3A_169, %select_n3A_168 : i32
        %select_n3A_178 = arith.select %and3A_176, %add3A_177, %rem3A_169 : i32
        %mul3A_179 = arith.constant 16 : i32
        %mul3A_180 = arith.muli %select_n3A_178, %mul3A_179 : i32
        %get3A = arith.index_cast %select_n3A_164 : i32 to index
        %get3A_181 = arith.index_cast %mul3A_180 : i32 to index
        %get3A_182 = tpu.vector_load %arg7[%get3A, %get3A_181] {strides = array<i32>} : memref<4x128xf32, #tpu.memory_space<vmem>>, vector<16xf32>,
        %bitcast3A = vector.bitcast %get3A_182 : vector<16xf32> to vector<16xi32>
        %and3A_183 = arith.constant 1048575 : i32
        %and3A_184 = vector.broadcast %and3A_183 : i32 to vector<16xi32>
        %and3A_185 = arith.andi %bitcast3A, %and3A_184 : vector<16xi32>
        %mul3A_186 = arith.constant 16 : i32
        %mul3A_187 = arith.muli %scan3A_140, %mul3A_186 : i32
        %swap3A = arith.index_cast %mul3A_187 : i32 to index
        %swap3A_188 = tpu.vector_load %arg8[%swap3A] {strides = array<i32>} : memref<512xi32, #tpu.memory_space<vmem>>, vector<16xi32>,
        tpu.vector_store %arg8[%swap3A], %and3A_185 {strides = array<i32>} : memref<512xi32, #tpu.memory_space<vmem>>, vector<16xi32>,
        %shift_right_logical3A = arith.constant 20 : i32
        %shift_right_logical3A_189 = vector.broadcast %shift_right_logical3A : i32 to vector<16xi32>
        %shift_right_logical3A_190 = arith.shrui %bitcast3A, %shift_right_logical3A_189 : vector<16xi32>
        %mul3A_191 = arith.constant 16 : i32
        %mul3A_192 = arith.muli %scan3A_140, %mul3A_191 : i32
        %swap3A_193 = arith.index_cast %mul3A_192 : i32 to index
        %swap3A_194 = tpu.vector_load %arg9[%swap3A_193] {strides = array<i32>} : memref<512xi32, #tpu.memory_space<vmem>>, vector<16xi32>,
        tpu.vector_store %arg9[%swap3A_193], %shift_right_logical3A_190 {strides = array<i32>} : memref<512xi32, #tpu.memory_space<vmem>>, vector<16xi32>,
      }
      %scan3A_58 = arith.constant 32 : i32
      %dma_start3A = arith.constant 0 : i32
      %dma_start3A_59 = arith.constant 0 : i32
      %dma_start3A_60 = tpu.memref_slice %arg4[%dma_start3A, %dma_start3A_59] : memref<1000000x64xf32, #tpu.memory_space<hbm>> -> memref<1000000x64xf32, #tpu.memory_space<hbm>>
      tpu.enqueue_indirect_dma source(%dma_start3A_60 : memref<1000000x64xf32, #tpu.memory_space<hbm>>) target(%arg10 : memref<512x64xf32, #tpu.memory_space<vmem>>) offsets(%arg8 : memref<512xi32, #tpu.memory_space<vmem>>) semaphore(%arg12 : memref<!tpu.dma_semaphore, #tpu.memory_space<semaphore_mem>>)
      %scan3A_61 = arith.constant 0 : i32
      %scan3A_62 = arith.constant 0 : i32
      %scan3A_63 = arith.constant 32 : i32
      %scan3A_64 = arith.addi %scan3A_62, %scan3A_63 : i32
      %scan3A_65 = arith.constant 1 : i32
      scf.for %scan3A_140 = %scan3A_62 to %scan3A_64 step %scan3A_65  : i32 {
        %mul3A_141 = arith.constant 16 : i32
        %mul3A_142 = arith.muli %scan3A_140, %mul3A_141 : i32
        %add3A_143 = vector.broadcast %mul3A_142 : i32 to vector<16xi32>
        %add3A_144 = arith.addi %add3A_143, %iota3A : vector<16xi32>
        %mul3A_145 = arith.constant 16 : i32
        %mul3A_146 = arith.muli %scan3A_140, %mul3A_145 : i32
        %get3A = arith.index_cast %mul3A_146 : i32 to index
        %get3A_147 = tpu.vector_load %arg9[%get3A] {strides = array<i32>} : memref<512xi32, #tpu.memory_space<vmem>>, vector<16xi32>,
        %broadcast_in_dim3A = arith.constant 0 : i32
        %broadcast_in_dim3A_148 = vector.broadcast %broadcast_in_dim3A : i32 to vector<16xi32>
        %gather3A = tpu.vector_load_idx %arg6[%get3A_147, %broadcast_in_dim3A_148] : memref<500x24xf32, #tpu.memory_space<vmem>>[vector<16xi32>, vector<16xi32>], vector<16xf32>,
        %broadcast_in_dim3A_149 = arith.constant 0 : i32
        %broadcast_in_dim3A_150 = vector.broadcast %broadcast_in_dim3A_149 : i32 to vector<16xi32>
        tpu.vector_store_idx %arg11[%add3A_144, %broadcast_in_dim3A_150], %gather3A : memref<512x24xf32, #tpu.memory_space<vmem>>[vector<16xi32>, vector<16xi32>], vector<16xf32>,
        %broadcast_in_dim3A_151 = arith.constant 1 : i32
        %broadcast_in_dim3A_152 = vector.broadcast %broadcast_in_dim3A_151 : i32 to vector<16xi32>
        %gather3A_153 = tpu.vector_load_idx %arg6[%get3A_147, %broadcast_in_dim3A_152] : memref<500x24xf32, #tpu.memory_space<vmem>>[vector<16xi32>, vector<16xi32>], vector<16xf32>,
        %broadcast_in_dim3A_154 = arith.constant 1 : i32
        %broadcast_in_dim3A_155 = vector.broadcast %broadcast_in_dim3A_154 : i32 to vector<16xi32>
        tpu.vector_store_idx %arg11[%add3A_144, %broadcast_in_dim3A_155], %gather3A_153 : memref<512x24xf32, #tpu.memory_space<vmem>>[vector<16xi32>, vector<16xi32>], vector<16xf32>,
        %broadcast_in_dim3A_156 = arith.constant 2 : i32
        %broadcast_in_dim3A_157 = vector.broadcast %broadcast_in_dim3A_156 : i32 to vector<16xi32>
        %gather3A_158 = tpu.vector_load_idx %arg6[%get3A_147, %broadcast_in_dim3A_157] : memref<500x24xf32, #tpu.memory_space<vmem>>[vector<16xi32>, vector<16xi32>], vector<16xf32>,
        %broadcast_in_dim3A_159 = arith.constant 2 : i32
        %broadcast_in_dim3A_160 = vector.broadcast %broadcast_in_dim3A_159 : i32 to vector<16xi32>
        tpu.vector_store_idx %arg11[%add3A_144, %broadcast_in_dim3A_160], %gather3A_158 : memref<512x24xf32, #tpu.memory_space<vmem>>[vector<16xi32>, vector<16xi32>], vector<16xf32>,
        %broadcast_in_dim3A_161 = arith.constant 3 : i32
        %broadcast_in_dim3A_162 = vector.broadcast %broadcast_in_dim3A_161 : i32 to vector<16xi32>
        %gather3A_163 = tpu.vector_load_idx %arg6[%get3A_147, %broadcast_in_dim3A_162] : memref<500x24xf32, #tpu.memory_space<vmem>>[vector<16xi32>, vector<16xi32>], vector<16xf32>,
        %broadcast_in_dim3A_164 = arith.constant 3 : i32
        %broadcast_in_dim3A_165 = vector.broadcast %broadcast_in_dim3A_164 : i32 to vector<16xi32>
        tpu.vector_store_idx %arg11[%add3A_144, %broadcast_in_dim3A_165], %gather3A_163 : memref<512x24xf32, #tpu.memory_space<vmem>>[vector<16xi32>, vector<16xi32>], vector<16xf32>,
        %broadcast_in_dim3A_166 = arith.constant 4 : i32
        %broadcast_in_dim3A_167 = vector.broadcast %broadcast_in_dim3A_166 : i32 to vector<16xi32>
        %gather3A_168 = tpu.vector_load_idx %arg6[%get3A_147, %broadcast_in_dim3A_167] : memref<500x24xf32, #tpu.memory_space<vmem>>[vector<16xi32>, vector<16xi32>], vector<16xf32>,
        %broadcast_in_dim3A_169 = arith.constant 4 : i32
        %broadcast_in_dim3A_170 = vector.broadcast %broadcast_in_dim3A_169 : i32 to vector<16xi32>
        tpu.vector_store_idx %arg11[%add3A_144, %broadcast_in_dim3A_170], %gather3A_168 : memref<512x24xf32, #tpu.memory_space<vmem>>[vector<16xi32>, vector<16xi32>], vector<16xf32>,
        %broadcast_in_dim3A_171 = arith.constant 5 : i32
        %broadcast_in_dim3A_172 = vector.broadcast %broadcast_in_dim3A_171 : i32 to vector<16xi32>
        %gather3A_173 = tpu.vector_load_idx %arg6[%get3A_147, %broadcast_in_dim3A_172] : memref<500x24xf32, #tpu.memory_space<vmem>>[vector<16xi32>, vector<16xi32>], vector<16xf32>,
        %broadcast_in_dim3A_174 = arith.constant 5 : i32
        %broadcast_in_dim3A_175 = vector.broadcast %broadcast_in_dim3A_174 : i32 to vector<16xi32>
        tpu.vector_store_idx %arg11[%add3A_144, %broadcast_in_dim3A_175], %gather3A_173 : memref<512x24xf32, #tpu.memory_space<vmem>>[vector<16xi32>, vector<16xi32>], vector<16xf32>,
        %broadcast_in_dim3A_176 = arith.constant 6 : i32
        %broadcast_in_dim3A_177 = vector.broadcast %broadcast_in_dim3A_176 : i32 to vector<16xi32>
        %gather3A_178 = tpu.vector_load_idx %arg6[%get3A_147, %broadcast_in_dim3A_177] : memref<500x24xf32, #tpu.memory_space<vmem>>[vector<16xi32>, vector<16xi32>], vector<16xf32>,
        %broadcast_in_dim3A_179 = arith.constant 6 : i32
        %broadcast_in_dim3A_180 = vector.broadcast %broadcast_in_dim3A_179 : i32 to vector<16xi32>
        tpu.vector_store_idx %arg11[%add3A_144, %broadcast_in_dim3A_180], %gather3A_178 : memref<512x24xf32, #tpu.memory_space<vmem>>[vector<16xi32>, vector<16xi32>], vector<16xf32>,
        %broadcast_in_dim3A_181 = arith.constant 7 : i32
        %broadcast_in_dim3A_182 = vector.broadcast %broadcast_in_dim3A_181 : i32 to vector<16xi32>
        %gather3A_183 = tpu.vector_load_idx %arg6[%get3A_147, %broadcast_in_dim3A_182] : memref<500x24xf32, #tpu.memory_space<vmem>>[vector<16xi32>, vector<16xi32>], vector<16xf32>,
        %broadcast_in_dim3A_184 = arith.constant 7 : i32
        %broadcast_in_dim3A_185 = vector.broadcast %broadcast_in_dim3A_184 : i32 to vector<16xi32>
        tpu.vector_store_idx %arg11[%add3A_144, %broadcast_in_dim3A_185], %gather3A_183 : memref<512x24xf32, #tpu.memory_space<vmem>>[vector<16xi32>, vector<16xi32>], vector<16xf32>,
        %broadcast_in_dim3A_186 = arith.constant 8 : i32
        %broadcast_in_dim3A_187 = vector.broadcast %broadcast_in_dim3A_186 : i32 to vector<16xi32>
        %gather3A_188 = tpu.vector_load_idx %arg6[%get3A_147, %broadcast_in_dim3A_187] : memref<500x24xf32, #tpu.memory_space<vmem>>[vector<16xi32>, vector<16xi32>], vector<16xf32>,
        %broadcast_in_dim3A_189 = arith.constant 8 : i32
        %broadcast_in_dim3A_190 = vector.broadcast %broadcast_in_dim3A_189 : i32 to vector<16xi32>
        tpu.vector_store_idx %arg11[%add3A_144, %broadcast_in_dim3A_190], %gather3A_188 : memref<512x24xf32, #tpu.memory_space<vmem>>[vector<16xi32>, vector<16xi32>], vector<16xf32>,
        %broadcast_in_dim3A_191 = arith.constant 9 : i32
        %broadcast_in_dim3A_192 = vector.broadcast %broadcast_in_dim3A_191 : i32 to vector<16xi32>
        %gather3A_193 = tpu.vector_load_idx %arg6[%get3A_147, %broadcast_in_dim3A_192] : memref<500x24xf32, #tpu.memory_space<vmem>>[vector<16xi32>, vector<16xi32>], vector<16xf32>,
        %broadcast_in_dim3A_194 = arith.constant 9 : i32
        %broadcast_in_dim3A_195 = vector.broadcast %broadcast_in_dim3A_194 : i32 to vector<16xi32>
        tpu.vector_store_idx %arg11[%add3A_144, %broadcast_in_dim3A_195], %gather3A_193 : memref<512x24xf32, #tpu.memory_space<vmem>>[vector<16xi32>, vector<16xi32>], vector<16xf32>,
        %broadcast_in_dim3A_196 = arith.constant 10 : i32
        %broadcast_in_dim3A_197 = vector.broadcast %broadcast_in_dim3A_196 : i32 to vector<16xi32>
        %gather3A_198 = tpu.vector_load_idx %arg6[%get3A_147, %broadcast_in_dim3A_197] : memref<500x24xf32, #tpu.memory_space<vmem>>[vector<16xi32>, vector<16xi32>], vector<16xf32>,
        %broadcast_in_dim3A_199 = arith.constant 10 : i32
        %broadcast_in_dim3A_200 = vector.broadcast %broadcast_in_dim3A_199 : i32 to vector<16xi32>
        tpu.vector_store_idx %arg11[%add3A_144, %broadcast_in_dim3A_200], %gather3A_198 : memref<512x24xf32, #tpu.memory_space<vmem>>[vector<16xi32>, vector<16xi32>], vector<16xf32>,
        %broadcast_in_dim3A_201 = arith.constant 11 : i32
        %broadcast_in_dim3A_202 = vector.broadcast %broadcast_in_dim3A_201 : i32 to vector<16xi32>
        %gather3A_203 = tpu.vector_load_idx %arg6[%get3A_147, %broadcast_in_dim3A_202] : memref<500x24xf32, #tpu.memory_space<vmem>>[vector<16xi32>, vector<16xi32>], vector<16xf32>,
        %broadcast_in_dim3A_204 = arith.constant 11 : i32
        %broadcast_in_dim3A_205 = vector.broadcast %broadcast_in_dim3A_204 : i32 to vector<16xi32>
        tpu.vector_store_idx %arg11[%add3A_144, %broadcast_in_dim3A_205], %gather3A_203 : memref<512x24xf32, #tpu.memory_space<vmem>>[vector<16xi32>, vector<16xi32>], vector<16xf32>,
        %broadcast_in_dim3A_206 = arith.constant 12 : i32
        %broadcast_in_dim3A_207 = vector.broadcast %broadcast_in_dim3A_206 : i32 to vector<16xi32>
        %gather3A_208 = tpu.vector_load_idx %arg6[%get3A_147, %broadcast_in_dim3A_207] : memref<500x24xf32, #tpu.memory_space<vmem>>[vector<16xi32>, vector<16xi32>], vector<16xf32>,
        %broadcast_in_dim3A_209 = arith.constant 12 : i32
        %broadcast_in_dim3A_210 = vector.broadcast %broadcast_in_dim3A_209 : i32 to vector<16xi32>
        tpu.vector_store_idx %arg11[%add3A_144, %broadcast_in_dim3A_210], %gather3A_208 : memref<512x24xf32, #tpu.memory_space<vmem>>[vector<16xi32>, vector<16xi32>], vector<16xf32>,
        %broadcast_in_dim3A_211 = arith.constant 13 : i32
        %broadcast_in_dim3A_212 = vector.broadcast %broadcast_in_dim3A_211 : i32 to vector<16xi32>
        %gather3A_213 = tpu.vector_load_idx %arg6[%get3A_147, %broadcast_in_dim3A_212] : memref<500x24xf32, #tpu.memory_space<vmem>>[vector<16xi32>, vector<16xi32>], vector<16xf32>,
        %broadcast_in_dim3A_214 = arith.constant 13 : i32
        %broadcast_in_dim3A_215 = vector.broadcast %broadcast_in_dim3A_214 : i32 to vector<16xi32>
        tpu.vector_store_idx %arg11[%add3A_144, %broadcast_in_dim3A_215], %gather3A_213 : memref<512x24xf32, #tpu.memory_space<vmem>>[vector<16xi32>, vector<16xi32>], vector<16xf32>,
        %broadcast_in_dim3A_216 = arith.constant 14 : i32
        %broadcast_in_dim3A_217 = vector.broadcast %broadcast_in_dim3A_216 : i32 to vector<16xi32>
        %gather3A_218 = tpu.vector_load_idx %arg6[%get3A_147, %broadcast_in_dim3A_217] : memref<500x24xf32, #tpu.memory_space<vmem>>[vector<16xi32>, vector<16xi32>], vector<16xf32>,
        %broadcast_in_dim3A_219 = arith.constant 14 : i32
        %broadcast_in_dim3A_220 = vector.broadcast %broadcast_in_dim3A_219 : i32 to vector<16xi32>
        tpu.vector_store_idx %arg11[%add3A_144, %broadcast_in_dim3A_220], %gather3A_218 : memref<512x24xf32, #tpu.memory_space<vmem>>[vector<16xi32>, vector<16xi32>], vector<16xf32>,
        %broadcast_in_dim3A_221 = arith.constant 15 : i32
        %broadcast_in_dim3A_222 = vector.broadcast %broadcast_in_dim3A_221 : i32 to vector<16xi32>
        %gather3A_223 = tpu.vector_load_idx %arg6[%get3A_147, %broadcast_in_dim3A_222] : memref<500x24xf32, #tpu.memory_space<vmem>>[vector<16xi32>, vector<16xi32>], vector<16xf32>,
        %broadcast_in_dim3A_224 = arith.constant 15 : i32
        %broadcast_in_dim3A_225 = vector.broadcast %broadcast_in_dim3A_224 : i32 to vector<16xi32>
        tpu.vector_store_idx %arg11[%add3A_144, %broadcast_in_dim3A_225], %gather3A_223 : memref<512x24xf32, #tpu.memory_space<vmem>>[vector<16xi32>, vector<16xi32>], vector<16xf32>,
        %broadcast_in_dim3A_226 = arith.constant 16 : i32
        %broadcast_in_dim3A_227 = vector.broadcast %broadcast_in_dim3A_226 : i32 to vector<16xi32>
        %gather3A_228 = tpu.vector_load_idx %arg6[%get3A_147, %broadcast_in_dim3A_227] : memref<500x24xf32, #tpu.memory_space<vmem>>[vector<16xi32>, vector<16xi32>], vector<16xf32>,
        %broadcast_in_dim3A_229 = arith.constant 16 : i32
        %broadcast_in_dim3A_230 = vector.broadcast %broadcast_in_dim3A_229 : i32 to vector<16xi32>
        tpu.vector_store_idx %arg11[%add3A_144, %broadcast_in_dim3A_230], %gather3A_228 : memref<512x24xf32, #tpu.memory_space<vmem>>[vector<16xi32>, vector<16xi32>], vector<16xf32>,
        %broadcast_in_dim3A_231 = arith.constant 17 : i32
        %broadcast_in_dim3A_232 = vector.broadcast %broadcast_in_dim3A_231 : i32 to vector<16xi32>
        %gather3A_233 = tpu.vector_load_idx %arg6[%get3A_147, %broadcast_in_dim3A_232] : memref<500x24xf32, #tpu.memory_space<vmem>>[vector<16xi32>, vector<16xi32>], vector<16xf32>,
        %broadcast_in_dim3A_234 = arith.constant 17 : i32
        %broadcast_in_dim3A_235 = vector.broadcast %broadcast_in_dim3A_234 : i32 to vector<16xi32>
        tpu.vector_store_idx %arg11[%add3A_144, %broadcast_in_dim3A_235], %gather3A_233 : memref<512x24xf32, #tpu.memory_space<vmem>>[vector<16xi32>, vector<16xi32>], vector<16xf32>,
        %broadcast_in_dim3A_236 = arith.constant 18 : i32
        %broadcast_in_dim3A_237 = vector.broadcast %broadcast_in_dim3A_236 : i32 to vector<16xi32>
        %gather3A_238 = tpu.vector_load_idx %arg6[%get3A_147, %broadcast_in_dim3A_237] : memref<500x24xf32, #tpu.memory_space<vmem>>[vector<16xi32>, vector<16xi32>], vector<16xf32>,
        %broadcast_in_dim3A_239 = arith.constant 18 : i32
        %broadcast_in_dim3A_240 = vector.broadcast %broadcast_in_dim3A_239 : i32 to vector<16xi32>
        tpu.vector_store_idx %arg11[%add3A_144, %broadcast_in_dim3A_240], %gather3A_238 : memref<512x24xf32, #tpu.memory_space<vmem>>[vector<16xi32>, vector<16xi32>], vector<16xf32>,
      }
      %scan3A_66 = arith.constant 32 : i32
      %dma_start3A_67 = arith.constant 64 : i32
      %dma_start3A_68 = tpu.memref_slice %arg5[%add3A_35, %dma_start3A_67] : memref<819200x128xf32, #tpu.memory_space<hbm>> -> memref<512x24xf32, #tpu.memory_space<hbm>>
      %dma_start3A_69 = arith.constant 64 : i32
      %dma_start3A_70 = tpu.memref_slice %arg5[%add3A_35, %dma_start3A_69] : memref<819200x128xf32, #tpu.memory_space<hbm>> -> memref<512x24xf32, #tpu.memory_space<hbm>>
      tpu.enqueue_dma source(%arg11 : memref<512x24xf32, #tpu.memory_space<vmem>>) target(%dma_start3A_70 : memref<512x24xf32, #tpu.memory_space<hbm>>) target_semaphore(%arg14 : memref<!tpu.dma_semaphore, #tpu.memory_space<semaphore_mem>>)
      %dma_wait3A_71 = arith.constant 0 : i32
      %dma_wait3A_72 = arith.constant 0 : i32
      %dma_wait3A_73 = tpu.memref_slice %arg4[%dma_wait3A_71, %dma_wait3A_72] : memref<1000000x64xf32, #tpu.memory_space<hbm>> -> memref<1000000x64xf32, #tpu.memory_space<hbm>>
      tpu.wait_indirect_dma semaphore(%arg12 : memref<!tpu.dma_semaphore, #tpu.memory_space<semaphore_mem>>) src(%dma_wait3A_73 : memref<1000000x64xf32, #tpu.memory_space<hbm>>) dst(%arg10 : memref<512x64xf32, #tpu.memory_space<vmem>>)
      %dma_start3A_74 = arith.constant 0 : i32
      %dma_start3A_75 = tpu.memref_slice %arg5[%add3A_35, %dma_start3A_74] : memref<819200x128xf32, #tpu.memory_space<hbm>> -> memref<512x64xf32, #tpu.memory_space<hbm>>
      %dma_start3A_76 = arith.constant 0 : i32
      %dma_start3A_77 = tpu.memref_slice %arg5[%add3A_35, %dma_start3A_76] : memref<819200x128xf32, #tpu.memory_space<hbm>> -> memref<512x64xf32, #tpu.memory_space<hbm>>
      tpu.enqueue_dma source(%arg10 : memref<512x64xf32, #tpu.memory_space<vmem>>) target(%dma_start3A_77 : memref<512x64xf32, #tpu.memory_space<hbm>>) target_semaphore(%arg13 : memref<!tpu.dma_semaphore, #tpu.memory_space<semaphore_mem>>)
      %gt3A_78 = arith.constant 0 : i32
      %gt3A_79 = arith.cmpi sgt, %scan3A_27, %gt3A_78 : i32
      %mul3A_80 = arith.constant 2 : i32
      %mul3A_81 = arith.muli %scan3A_27, %mul3A_80 : i32
      %add3A_82 = arith.constant 1 : i32
      %add3A_83 = arith.addi %mul3A_81, %add3A_82 : i32
      %mul3A_84 = arith.constant 512 : i32
      %mul3A_85 = arith.muli %add3A_83, %mul3A_84 : i32
      %add3A_86 = arith.addi %mul3A_2, %mul3A_85 : i32
      %convert_element_type3A_87 = arith.extui %gt3A_79 : i1 to i32
      %cond3A_88 = arith.constant 0 : i32
      %cond3A_89 = arith.cmpi ne, %convert_element_type3A_87, %cond3A_88 : i32
      scf.if %cond3A_89 {
        %dma_wait3A_140 = arith.constant 0 : i32
        %dma_wait3A_141 = tpu.memref_slice %arg5[%add3A_86, %dma_wait3A_140] : memref<819200x128xf32, #tpu.memory_space<hbm>> -> memref<512x64xf32, #tpu.memory_space<hbm>>
        %dma_wait3A_142 = arith.constant 0 : i32
        %dma_wait3A_143 = tpu.memref_slice %arg5[%add3A_86, %dma_wait3A_142] : memref<819200x128xf32, #tpu.memory_space<hbm>> -> memref<512x64xf32, #tpu.memory_space<hbm>>
        tpu.wait_dma2 semaphore(%arg21 : memref<!tpu.dma_semaphore, #tpu.memory_space<semaphore_mem>>) src(%arg18 : memref<512x64xf32, #tpu.memory_space<vmem>>) dst(%dma_wait3A_143 : memref<512x64xf32, #tpu.memory_space<hbm>>)
        %dma_wait3A_144 = arith.constant 64 : i32
        %dma_wait3A_145 = tpu.memref_slice %arg5[%add3A_86, %dma_wait3A_144] : memref<819200x128xf32, #tpu.memory_space<hbm>> -> memref<512x24xf32, #tpu.memory_space<hbm>>
        %dma_wait3A_146 = arith.constant 64 : i32
        %dma_wait3A_147 = tpu.memref_slice %arg5[%add3A_86, %dma_wait3A_146] : memref<819200x128xf32, #tpu.memory_space<hbm>> -> memref<512x24xf32, #tpu.memory_space<hbm>>
        tpu.wait_dma2 semaphore(%arg22 : memref<!tpu.dma_semaphore, #tpu.memory_space<semaphore_mem>>) src(%arg19 : memref<512x24xf32, #tpu.memory_space<vmem>>) dst(%dma_wait3A_147 : memref<512x24xf32, #tpu.memory_space<hbm>>)
      } else {
      }
      %jit3A_90 = arith.constant 128 : i32
      %div3A_91 = arith.divsi %add3A_86, %jit3A_90 : i32
      %sign3A_92 = arith.constant 0 : i32
      %sign3A_93 = arith.cmpi sgt, %add3A_86, %sign3A_92 : i32
      %sign3A_94 = arith.extui %sign3A_93 : i1 to i32
      %sign3A_95 = arith.constant 0 : i32
      %sign3A_96 = arith.cmpi slt, %add3A_86, %sign3A_95 : i32
      %sign3A_97 = arith.extui %sign3A_96 : i1 to i32
      %sign3A_98 = arith.subi %sign3A_94, %sign3A_97 : i32
      %sign3A_99 = arith.constant 0 : i32
      %sign3A_100 = arith.cmpi sgt, %jit3A_90, %sign3A_99 : i32
      %sign3A_101 = arith.extui %sign3A_100 : i1 to i32
      %sign3A_102 = arith.constant 0 : i32
      %sign3A_103 = arith.cmpi slt, %jit3A_90, %sign3A_102 : i32
      %sign3A_104 = arith.extui %sign3A_103 : i1 to i32
      %sign3A_105 = arith.subi %sign3A_101, %sign3A_104 : i32
      %ne3A_106 = arith.cmpi ne, %sign3A_98, %sign3A_105 : i32
      %rem3A_107 = arith.remsi %add3A_86, %jit3A_90 : i32
      %ne3A_108 = arith.constant 0 : i32
      %ne3A_109 = arith.cmpi ne, %rem3A_107, %ne3A_108 : i32
      %and3A_110 = arith.andi %ne3A_106, %ne3A_109 : i1
      %sub3A_111 = arith.constant 1 : i32
      %sub3A_112 = arith.subi %div3A_91, %sub3A_111 : i32
      %select_n3A_113 = arith.select %and3A_110, %sub3A_112, %div3A_91 : i32
      "tpu.region"() ({
        %run_scoped3A = tpu.sem_alloc : memref<!tpu.dma_semaphore, #tpu.memory_space<semaphore_mem>>
        %dma_start3A_140 = arith.constant 0 : i32
        %dma_start3A_141 = tpu.memref_slice %arg2[%select_n3A_113, %dma_start3A_140] : memref<6400x128xf32, #tpu.memory_space<hbm>> -> memref<4x128xf32, #tpu.memory_space<hbm>>
        %dma_start3A_142 = arith.constant 0 : i32
        %dma_start3A_143 = tpu.memref_slice %arg2[%select_n3A_113, %dma_start3A_142] : memref<6400x128xf32, #tpu.memory_space<hbm>> -> memref<4x128xf32, #tpu.memory_space<hbm>>
        tpu.enqueue_dma source(%dma_start3A_143 : memref<4x128xf32, #tpu.memory_space<hbm>>) target(%arg15 : memref<4x128xf32, #tpu.memory_space<vmem>>) target_semaphore(%run_scoped3A : memref<!tpu.dma_semaphore, #tpu.memory_space<semaphore_mem>>)
        %dma_wait3A_144 = arith.constant 0 : i32
        %dma_wait3A_145 = tpu.memref_slice %arg2[%select_n3A_113, %dma_wait3A_144] : memref<6400x128xf32, #tpu.memory_space<hbm>> -> memref<4x128xf32, #tpu.memory_space<hbm>>
        %dma_wait3A_146 = arith.constant 0 : i32
        %dma_wait3A_147 = tpu.memref_slice %arg2[%select_n3A_113, %dma_wait3A_146] : memref<6400x128xf32, #tpu.memory_space<hbm>> -> memref<4x128xf32, #tpu.memory_space<hbm>>
        tpu.wait_dma2 semaphore(%run_scoped3A : memref<!tpu.dma_semaphore, #tpu.memory_space<semaphore_mem>>) src(%dma_wait3A_147 : memref<4x128xf32, #tpu.memory_space<hbm>>) dst(%arg15 : memref<4x128xf32, #tpu.memory_space<vmem>>)
        tpu.yield
      }) : () -> ()
      %scan3A_114 = arith.constant 0 : i32
      %scan3A_115 = arith.constant 0 : i32
      %scan3A_116 = arith.constant 32 : i32
      %scan3A_117 = arith.addi %scan3A_115, %scan3A_116 : i32
      %scan3A_118 = arith.constant 1 : i32
      scf.for %scan3A_140 = %scan3A_115 to %scan3A_117 step %scan3A_118  : i32 {
        %jit3A_141 = arith.constant 8 : i32
        %div3A_142 = arith.divsi %scan3A_140, %jit3A_141 : i32
        %sign3A_143 = arith.constant 0 : i32
        %sign3A_144 = arith.cmpi sgt, %scan3A_140, %sign3A_143 : i32
        %sign3A_145 = arith.extui %sign3A_144 : i1 to i32
        %sign3A_146 = arith.constant 0 : i32
        %sign3A_147 = arith.cmpi slt, %scan3A_140, %sign3A_146 : i32
        %sign3A_148 = arith.extui %sign3A_147 : i1 to i32
        %sign3A_149 = arith.subi %sign3A_145, %sign3A_148 : i32
        %sign3A_150 = arith.constant 0 : i32
        %sign3A_151 = arith.cmpi sgt, %jit3A_141, %sign3A_150 : i32
        %sign3A_152 = arith.extui %sign3A_151 : i1 to i32
        %sign3A_153 = arith.constant 0 : i32
        %sign3A_154 = arith.cmpi slt, %jit3A_141, %sign3A_153 : i32
        %sign3A_155 = arith.extui %sign3A_154 : i1 to i32
        %sign3A_156 = arith.subi %sign3A_152, %sign3A_155 : i32
        %ne3A_157 = arith.cmpi ne, %sign3A_149, %sign3A_156 : i32
        %rem3A_158 = arith.remsi %scan3A_140, %jit3A_141 : i32
        %ne3A_159 = arith.constant 0 : i32
        %ne3A_160 = arith.cmpi ne, %rem3A_158, %ne3A_159 : i32
        %and3A_161 = arith.andi %ne3A_157, %ne3A_160 : i1
        %sub3A_162 = arith.constant 1 : i32
        %sub3A_163 = arith.subi %div3A_142, %sub3A_162 : i32
        %select_n3A_164 = arith.select %and3A_161, %sub3A_163, %div3A_142 : i32
        %jit3A_165 = arith.constant 8 : i32
        %eq3A = arith.constant 0 : i32
        %eq3A_166 = arith.cmpi eq, %jit3A_165, %eq3A : i32
        %jit3A_167 = arith.constant 1 : i32
        %select_n3A_168 = arith.select %eq3A_166, %jit3A_167, %jit3A_165 : i32
        %rem3A_169 = arith.remsi %scan3A_140, %select_n3A_168 : i32
        %ne3A_170 = arith.constant 0 : i32
        %ne3A_171 = arith.cmpi ne, %rem3A_169, %ne3A_170 : i32
        %lt3A = arith.constant 0 : i32
        %lt3A_172 = arith.cmpi slt, %rem3A_169, %lt3A : i32
        %lt3A_173 = arith.constant 0 : i32
        %lt3A_174 = arith.cmpi slt, %select_n3A_168, %lt3A_173 : i32
        %ne3A_175 = arith.xori %lt3A_172, %lt3A_174 : i1
        %and3A_176 = arith.andi %ne3A_175, %ne3A_171 : i1
        %add3A_177 = arith.addi %rem3A_169, %select_n3A_168 : i32
        %select_n3A_178 = arith.select %and3A_176, %add3A_177, %rem3A_169 : i32
        %mul3A_179 = arith.constant 16 : i32
        %mul3A_180 = arith.muli %select_n3A_178, %mul3A_179 : i32
        %get3A = arith.index_cast %select_n3A_164 : i32 to index
        %get3A_181 = arith.index_cast %mul3A_180 : i32 to index
        %get3A_182 = tpu.vector_load %arg15[%get3A, %get3A_181] {strides = array<i32>} : memref<4x128xf32, #tpu.memory_space<vmem>>, vector<16xf32>,
        %bitcast3A = vector.bitcast %get3A_182 : vector<16xf32> to vector<16xi32>
        %and3A_183 = arith.constant 1048575 : i32
        %and3A_184 = vector.broadcast %and3A_183 : i32 to vector<16xi32>
        %and3A_185 = arith.andi %bitcast3A, %and3A_184 : vector<16xi32>
        %mul3A_186 = arith.constant 16 : i32
        %mul3A_187 = arith.muli %scan3A_140, %mul3A_186 : i32
        %swap3A = arith.index_cast %mul3A_187 : i32 to index
        %swap3A_188 = tpu.vector_load %arg16[%swap3A] {strides = array<i32>} : memref<512xi32, #tpu.memory_space<vmem>>, vector<16xi32>,
        tpu.vector_store %arg16[%swap3A], %and3A_185 {strides = array<i32>} : memref<512xi32, #tpu.memory_space<vmem>>, vector<16xi32>,
        %shift_right_logical3A = arith.constant 20 : i32
        %shift_right_logical3A_189 = vector.broadcast %shift_right_logical3A : i32 to vector<16xi32>
        %shift_right_logical3A_190 = arith.shrui %bitcast3A, %shift_right_logical3A_189 : vector<16xi32>
        %mul3A_191 = arith.constant 16 : i32
        %mul3A_192 = arith.muli %scan3A_140, %mul3A_191 : i32
        %swap3A_193 = arith.index_cast %mul3A_192 : i32 to index
        %swap3A_194 = tpu.vector_load %arg17[%swap3A_193] {strides = array<i32>} : memref<512xi32, #tpu.memory_space<vmem>>, vector<16xi32>,
        tpu.vector_store %arg17[%swap3A_193], %shift_right_logical3A_190 {strides = array<i32>} : memref<512xi32, #tpu.memory_space<vmem>>, vector<16xi32>,
      }
      %scan3A_119 = arith.constant 32 : i32
      %dma_start3A_120 = arith.constant 0 : i32
      %dma_start3A_121 = arith.constant 0 : i32
      %dma_start3A_122 = tpu.memref_slice %arg4[%dma_start3A_120, %dma_start3A_121] : memref<1000000x64xf32, #tpu.memory_space<hbm>> -> memref<1000000x64xf32, #tpu.memory_space<hbm>>
      tpu.enqueue_indirect_dma source(%dma_start3A_122 : memref<1000000x64xf32, #tpu.memory_space<hbm>>) target(%arg18 : memref<512x64xf32, #tpu.memory_space<vmem>>) offsets(%arg16 : memref<512xi32, #tpu.memory_space<vmem>>) semaphore(%arg20 : memref<!tpu.dma_semaphore, #tpu.memory_space<semaphore_mem>>)
      %scan3A_123 = arith.constant 0 : i32
      %scan3A_124 = arith.constant 0 : i32
      %scan3A_125 = arith.constant 32 : i32
      %scan3A_126 = arith.addi %scan3A_124, %scan3A_125 : i32
      %scan3A_127 = arith.constant 1 : i32
      scf.for %scan3A_140 = %scan3A_124 to %scan3A_126 step %scan3A_127  : i32 {
        %mul3A_141 = arith.constant 16 : i32
        %mul3A_142 = arith.muli %scan3A_140, %mul3A_141 : i32
        %add3A_143 = vector.broadcast %mul3A_142 : i32 to vector<16xi32>
        %add3A_144 = arith.addi %add3A_143, %iota3A : vector<16xi32>
        %mul3A_145 = arith.constant 16 : i32
        %mul3A_146 = arith.muli %scan3A_140, %mul3A_145 : i32
        %get3A = arith.index_cast %mul3A_146 : i32 to index
        %get3A_147 = tpu.vector_load %arg17[%get3A] {strides = array<i32>} : memref<512xi32, #tpu.memory_space<vmem>>, vector<16xi32>,
        %broadcast_in_dim3A = arith.constant 0 : i32
        %broadcast_in_dim3A_148 = vector.broadcast %broadcast_in_dim3A : i32 to vector<16xi32>
        %gather3A = tpu.vector_load_idx %arg6[%get3A_147, %broadcast_in_dim3A_148] : memref<500x24xf32, #tpu.memory_space<vmem>>[vector<16xi32>, vector<16xi32>], vector<16xf32>,
        %broadcast_in_dim3A_149 = arith.constant 0 : i32
        %broadcast_in_dim3A_150 = vector.broadcast %broadcast_in_dim3A_149 : i32 to vector<16xi32>
        tpu.vector_store_idx %arg19[%add3A_144, %broadcast_in_dim3A_150], %gather3A : memref<512x24xf32, #tpu.memory_space<vmem>>[vector<16xi32>, vector<16xi32>], vector<16xf32>,
        %broadcast_in_dim3A_151 = arith.constant 1 : i32
        %broadcast_in_dim3A_152 = vector.broadcast %broadcast_in_dim3A_151 : i32 to vector<16xi32>
        %gather3A_153 = tpu.vector_load_idx %arg6[%get3A_147, %broadcast_in_dim3A_152] : memref<500x24xf32, #tpu.memory_space<vmem>>[vector<16xi32>, vector<16xi32>], vector<16xf32>,
        %broadcast_in_dim3A_154 = arith.constant 1 : i32
        %broadcast_in_dim3A_155 = vector.broadcast %broadcast_in_dim3A_154 : i32 to vector<16xi32>
        tpu.vector_store_idx %arg19[%add3A_144, %broadcast_in_dim3A_155], %gather3A_153 : memref<512x24xf32, #tpu.memory_space<vmem>>[vector<16xi32>, vector<16xi32>], vector<16xf32>,
        %broadcast_in_dim3A_156 = arith.constant 2 : i32
        %broadcast_in_dim3A_157 = vector.broadcast %broadcast_in_dim3A_156 : i32 to vector<16xi32>
        %gather3A_158 = tpu.vector_load_idx %arg6[%get3A_147, %broadcast_in_dim3A_157] : memref<500x24xf32, #tpu.memory_space<vmem>>[vector<16xi32>, vector<16xi32>], vector<16xf32>,
        %broadcast_in_dim3A_159 = arith.constant 2 : i32
        %broadcast_in_dim3A_160 = vector.broadcast %broadcast_in_dim3A_159 : i32 to vector<16xi32>
        tpu.vector_store_idx %arg19[%add3A_144, %broadcast_in_dim3A_160], %gather3A_158 : memref<512x24xf32, #tpu.memory_space<vmem>>[vector<16xi32>, vector<16xi32>], vector<16xf32>,
        %broadcast_in_dim3A_161 = arith.constant 3 : i32
        %broadcast_in_dim3A_162 = vector.broadcast %broadcast_in_dim3A_161 : i32 to vector<16xi32>
        %gather3A_163 = tpu.vector_load_idx %arg6[%get3A_147, %broadcast_in_dim3A_162] : memref<500x24xf32, #tpu.memory_space<vmem>>[vector<16xi32>, vector<16xi32>], vector<16xf32>,
        %broadcast_in_dim3A_164 = arith.constant 3 : i32
        %broadcast_in_dim3A_165 = vector.broadcast %broadcast_in_dim3A_164 : i32 to vector<16xi32>
        tpu.vector_store_idx %arg19[%add3A_144, %broadcast_in_dim3A_165], %gather3A_163 : memref<512x24xf32, #tpu.memory_space<vmem>>[vector<16xi32>, vector<16xi32>], vector<16xf32>,
        %broadcast_in_dim3A_166 = arith.constant 4 : i32
        %broadcast_in_dim3A_167 = vector.broadcast %broadcast_in_dim3A_166 : i32 to vector<16xi32>
        %gather3A_168 = tpu.vector_load_idx %arg6[%get3A_147, %broadcast_in_dim3A_167] : memref<500x24xf32, #tpu.memory_space<vmem>>[vector<16xi32>, vector<16xi32>], vector<16xf32>,
        %broadcast_in_dim3A_169 = arith.constant 4 : i32
        %broadcast_in_dim3A_170 = vector.broadcast %broadcast_in_dim3A_169 : i32 to vector<16xi32>
        tpu.vector_store_idx %arg19[%add3A_144, %broadcast_in_dim3A_170], %gather3A_168 : memref<512x24xf32, #tpu.memory_space<vmem>>[vector<16xi32>, vector<16xi32>], vector<16xf32>,
        %broadcast_in_dim3A_171 = arith.constant 5 : i32
        %broadcast_in_dim3A_172 = vector.broadcast %broadcast_in_dim3A_171 : i32 to vector<16xi32>
        %gather3A_173 = tpu.vector_load_idx %arg6[%get3A_147, %broadcast_in_dim3A_172] : memref<500x24xf32, #tpu.memory_space<vmem>>[vector<16xi32>, vector<16xi32>], vector<16xf32>,
        %broadcast_in_dim3A_174 = arith.constant 5 : i32
        %broadcast_in_dim3A_175 = vector.broadcast %broadcast_in_dim3A_174 : i32 to vector<16xi32>
        tpu.vector_store_idx %arg19[%add3A_144, %broadcast_in_dim3A_175], %gather3A_173 : memref<512x24xf32, #tpu.memory_space<vmem>>[vector<16xi32>, vector<16xi32>], vector<16xf32>,
        %broadcast_in_dim3A_176 = arith.constant 6 : i32
        %broadcast_in_dim3A_177 = vector.broadcast %broadcast_in_dim3A_176 : i32 to vector<16xi32>
        %gather3A_178 = tpu.vector_load_idx %arg6[%get3A_147, %broadcast_in_dim3A_177] : memref<500x24xf32, #tpu.memory_space<vmem>>[vector<16xi32>, vector<16xi32>], vector<16xf32>,
        %broadcast_in_dim3A_179 = arith.constant 6 : i32
        %broadcast_in_dim3A_180 = vector.broadcast %broadcast_in_dim3A_179 : i32 to vector<16xi32>
        tpu.vector_store_idx %arg19[%add3A_144, %broadcast_in_dim3A_180], %gather3A_178 : memref<512x24xf32, #tpu.memory_space<vmem>>[vector<16xi32>, vector<16xi32>], vector<16xf32>,
        %broadcast_in_dim3A_181 = arith.constant 7 : i32
        %broadcast_in_dim3A_182 = vector.broadcast %broadcast_in_dim3A_181 : i32 to vector<16xi32>
        %gather3A_183 = tpu.vector_load_idx %arg6[%get3A_147, %broadcast_in_dim3A_182] : memref<500x24xf32, #tpu.memory_space<vmem>>[vector<16xi32>, vector<16xi32>], vector<16xf32>,
        %broadcast_in_dim3A_184 = arith.constant 7 : i32
        %broadcast_in_dim3A_185 = vector.broadcast %broadcast_in_dim3A_184 : i32 to vector<16xi32>
        tpu.vector_store_idx %arg19[%add3A_144, %broadcast_in_dim3A_185], %gather3A_183 : memref<512x24xf32, #tpu.memory_space<vmem>>[vector<16xi32>, vector<16xi32>], vector<16xf32>,
        %broadcast_in_dim3A_186 = arith.constant 8 : i32
        %broadcast_in_dim3A_187 = vector.broadcast %broadcast_in_dim3A_186 : i32 to vector<16xi32>
        %gather3A_188 = tpu.vector_load_idx %arg6[%get3A_147, %broadcast_in_dim3A_187] : memref<500x24xf32, #tpu.memory_space<vmem>>[vector<16xi32>, vector<16xi32>], vector<16xf32>,
        %broadcast_in_dim3A_189 = arith.constant 8 : i32
        %broadcast_in_dim3A_190 = vector.broadcast %broadcast_in_dim3A_189 : i32 to vector<16xi32>
        tpu.vector_store_idx %arg19[%add3A_144, %broadcast_in_dim3A_190], %gather3A_188 : memref<512x24xf32, #tpu.memory_space<vmem>>[vector<16xi32>, vector<16xi32>], vector<16xf32>,
        %broadcast_in_dim3A_191 = arith.constant 9 : i32
        %broadcast_in_dim3A_192 = vector.broadcast %broadcast_in_dim3A_191 : i32 to vector<16xi32>
        %gather3A_193 = tpu.vector_load_idx %arg6[%get3A_147, %broadcast_in_dim3A_192] : memref<500x24xf32, #tpu.memory_space<vmem>>[vector<16xi32>, vector<16xi32>], vector<16xf32>,
        %broadcast_in_dim3A_194 = arith.constant 9 : i32
        %broadcast_in_dim3A_195 = vector.broadcast %broadcast_in_dim3A_194 : i32 to vector<16xi32>
        tpu.vector_store_idx %arg19[%add3A_144, %broadcast_in_dim3A_195], %gather3A_193 : memref<512x24xf32, #tpu.memory_space<vmem>>[vector<16xi32>, vector<16xi32>], vector<16xf32>,
        %broadcast_in_dim3A_196 = arith.constant 10 : i32
        %broadcast_in_dim3A_197 = vector.broadcast %broadcast_in_dim3A_196 : i32 to vector<16xi32>
        %gather3A_198 = tpu.vector_load_idx %arg6[%get3A_147, %broadcast_in_dim3A_197] : memref<500x24xf32, #tpu.memory_space<vmem>>[vector<16xi32>, vector<16xi32>], vector<16xf32>,
        %broadcast_in_dim3A_199 = arith.constant 10 : i32
        %broadcast_in_dim3A_200 = vector.broadcast %broadcast_in_dim3A_199 : i32 to vector<16xi32>
        tpu.vector_store_idx %arg19[%add3A_144, %broadcast_in_dim3A_200], %gather3A_198 : memref<512x24xf32, #tpu.memory_space<vmem>>[vector<16xi32>, vector<16xi32>], vector<16xf32>,
        %broadcast_in_dim3A_201 = arith.constant 11 : i32
        %broadcast_in_dim3A_202 = vector.broadcast %broadcast_in_dim3A_201 : i32 to vector<16xi32>
        %gather3A_203 = tpu.vector_load_idx %arg6[%get3A_147, %broadcast_in_dim3A_202] : memref<500x24xf32, #tpu.memory_space<vmem>>[vector<16xi32>, vector<16xi32>], vector<16xf32>,
        %broadcast_in_dim3A_204 = arith.constant 11 : i32
        %broadcast_in_dim3A_205 = vector.broadcast %broadcast_in_dim3A_204 : i32 to vector<16xi32>
        tpu.vector_store_idx %arg19[%add3A_144, %broadcast_in_dim3A_205], %gather3A_203 : memref<512x24xf32, #tpu.memory_space<vmem>>[vector<16xi32>, vector<16xi32>], vector<16xf32>,
        %broadcast_in_dim3A_206 = arith.constant 12 : i32
        %broadcast_in_dim3A_207 = vector.broadcast %broadcast_in_dim3A_206 : i32 to vector<16xi32>
        %gather3A_208 = tpu.vector_load_idx %arg6[%get3A_147, %broadcast_in_dim3A_207] : memref<500x24xf32, #tpu.memory_space<vmem>>[vector<16xi32>, vector<16xi32>], vector<16xf32>,
        %broadcast_in_dim3A_209 = arith.constant 12 : i32
        %broadcast_in_dim3A_210 = vector.broadcast %broadcast_in_dim3A_209 : i32 to vector<16xi32>
        tpu.vector_store_idx %arg19[%add3A_144, %broadcast_in_dim3A_210], %gather3A_208 : memref<512x24xf32, #tpu.memory_space<vmem>>[vector<16xi32>, vector<16xi32>], vector<16xf32>,
        %broadcast_in_dim3A_211 = arith.constant 13 : i32
        %broadcast_in_dim3A_212 = vector.broadcast %broadcast_in_dim3A_211 : i32 to vector<16xi32>
        %gather3A_213 = tpu.vector_load_idx %arg6[%get3A_147, %broadcast_in_dim3A_212] : memref<500x24xf32, #tpu.memory_space<vmem>>[vector<16xi32>, vector<16xi32>], vector<16xf32>,
        %broadcast_in_dim3A_214 = arith.constant 13 : i32
        %broadcast_in_dim3A_215 = vector.broadcast %broadcast_in_dim3A_214 : i32 to vector<16xi32>
        tpu.vector_store_idx %arg19[%add3A_144, %broadcast_in_dim3A_215], %gather3A_213 : memref<512x24xf32, #tpu.memory_space<vmem>>[vector<16xi32>, vector<16xi32>], vector<16xf32>,
        %broadcast_in_dim3A_216 = arith.constant 14 : i32
        %broadcast_in_dim3A_217 = vector.broadcast %broadcast_in_dim3A_216 : i32 to vector<16xi32>
        %gather3A_218 = tpu.vector_load_idx %arg6[%get3A_147, %broadcast_in_dim3A_217] : memref<500x24xf32, #tpu.memory_space<vmem>>[vector<16xi32>, vector<16xi32>], vector<16xf32>,
        %broadcast_in_dim3A_219 = arith.constant 14 : i32
        %broadcast_in_dim3A_220 = vector.broadcast %broadcast_in_dim3A_219 : i32 to vector<16xi32>
        tpu.vector_store_idx %arg19[%add3A_144, %broadcast_in_dim3A_220], %gather3A_218 : memref<512x24xf32, #tpu.memory_space<vmem>>[vector<16xi32>, vector<16xi32>], vector<16xf32>,
        %broadcast_in_dim3A_221 = arith.constant 15 : i32
        %broadcast_in_dim3A_222 = vector.broadcast %broadcast_in_dim3A_221 : i32 to vector<16xi32>
        %gather3A_223 = tpu.vector_load_idx %arg6[%get3A_147, %broadcast_in_dim3A_222] : memref<500x24xf32, #tpu.memory_space<vmem>>[vector<16xi32>, vector<16xi32>], vector<16xf32>,
        %broadcast_in_dim3A_224 = arith.constant 15 : i32
        %broadcast_in_dim3A_225 = vector.broadcast %broadcast_in_dim3A_224 : i32 to vector<16xi32>
        tpu.vector_store_idx %arg19[%add3A_144, %broadcast_in_dim3A_225], %gather3A_223 : memref<512x24xf32, #tpu.memory_space<vmem>>[vector<16xi32>, vector<16xi32>], vector<16xf32>,
        %broadcast_in_dim3A_226 = arith.constant 16 : i32
        %broadcast_in_dim3A_227 = vector.broadcast %broadcast_in_dim3A_226 : i32 to vector<16xi32>
        %gather3A_228 = tpu.vector_load_idx %arg6[%get3A_147, %broadcast_in_dim3A_227] : memref<500x24xf32, #tpu.memory_space<vmem>>[vector<16xi32>, vector<16xi32>], vector<16xf32>,
        %broadcast_in_dim3A_229 = arith.constant 16 : i32
        %broadcast_in_dim3A_230 = vector.broadcast %broadcast_in_dim3A_229 : i32 to vector<16xi32>
        tpu.vector_store_idx %arg19[%add3A_144, %broadcast_in_dim3A_230], %gather3A_228 : memref<512x24xf32, #tpu.memory_space<vmem>>[vector<16xi32>, vector<16xi32>], vector<16xf32>,
        %broadcast_in_dim3A_231 = arith.constant 17 : i32
        %broadcast_in_dim3A_232 = vector.broadcast %broadcast_in_dim3A_231 : i32 to vector<16xi32>
        %gather3A_233 = tpu.vector_load_idx %arg6[%get3A_147, %broadcast_in_dim3A_232] : memref<500x24xf32, #tpu.memory_space<vmem>>[vector<16xi32>, vector<16xi32>], vector<16xf32>,
        %broadcast_in_dim3A_234 = arith.constant 17 : i32
        %broadcast_in_dim3A_235 = vector.broadcast %broadcast_in_dim3A_234 : i32 to vector<16xi32>
        tpu.vector_store_idx %arg19[%add3A_144, %broadcast_in_dim3A_235], %gather3A_233 : memref<512x24xf32, #tpu.memory_space<vmem>>[vector<16xi32>, vector<16xi32>], vector<16xf32>,
        %broadcast_in_dim3A_236 = arith.constant 18 : i32
        %broadcast_in_dim3A_237 = vector.broadcast %broadcast_in_dim3A_236 : i32 to vector<16xi32>
        %gather3A_238 = tpu.vector_load_idx %arg6[%get3A_147, %broadcast_in_dim3A_237] : memref<500x24xf32, #tpu.memory_space<vmem>>[vector<16xi32>, vector<16xi32>], vector<16xf32>,
        %broadcast_in_dim3A_239 = arith.constant 18 : i32
        %broadcast_in_dim3A_240 = vector.broadcast %broadcast_in_dim3A_239 : i32 to vector<16xi32>
        tpu.vector_store_idx %arg19[%add3A_144, %broadcast_in_dim3A_240], %gather3A_238 : memref<512x24xf32, #tpu.memory_space<vmem>>[vector<16xi32>, vector<16xi32>], vector<16xf32>,
      }
      %scan3A_128 = arith.constant 32 : i32
      %dma_start3A_129 = arith.constant 64 : i32
      %dma_start3A_130 = tpu.memref_slice %arg5[%add3A_86, %dma_start3A_129] : memref<819200x128xf32, #tpu.memory_space<hbm>> -> memref<512x24xf32, #tpu.memory_space<hbm>>
      %dma_start3A_131 = arith.constant 64 : i32
      %dma_start3A_132 = tpu.memref_slice %arg5[%add3A_86, %dma_start3A_131] : memref<819200x128xf32, #tpu.memory_space<hbm>> -> memref<512x24xf32, #tpu.memory_space<hbm>>
      tpu.enqueue_dma source(%arg19 : memref<512x24xf32, #tpu.memory_space<vmem>>) target(%dma_start3A_132 : memref<512x24xf32, #tpu.memory_space<hbm>>) target_semaphore(%arg22 : memref<!tpu.dma_semaphore, #tpu.memory_space<semaphore_mem>>)
      %dma_wait3A_133 = arith.constant 0 : i32
      %dma_wait3A_134 = arith.constant 0 : i32
      %dma_wait3A_135 = tpu.memref_slice %arg4[%dma_wait3A_133, %dma_wait3A_134] : memref<1000000x64xf32, #tpu.memory_space<hbm>> -> memref<1000000x64xf32, #tpu.memory_space<hbm>>
      tpu.wait_indirect_dma semaphore(%arg20 : memref<!tpu.dma_semaphore, #tpu.memory_space<semaphore_mem>>) src(%dma_wait3A_135 : memref<1000000x64xf32, #tpu.memory_space<hbm>>) dst(%arg18 : memref<512x64xf32, #tpu.memory_space<vmem>>)
      %dma_start3A_136 = arith.constant 0 : i32
      %dma_start3A_137 = tpu.memref_slice %arg5[%add3A_86, %dma_start3A_136] : memref<819200x128xf32, #tpu.memory_space<hbm>> -> memref<512x64xf32, #tpu.memory_space<hbm>>
      %dma_start3A_138 = arith.constant 0 : i32
      %dma_start3A_139 = tpu.memref_slice %arg5[%add3A_86, %dma_start3A_138] : memref<819200x128xf32, #tpu.memory_space<hbm>> -> memref<512x64xf32, #tpu.memory_space<hbm>>
      tpu.enqueue_dma source(%arg18 : memref<512x64xf32, #tpu.memory_space<vmem>>) target(%dma_start3A_139 : memref<512x64xf32, #tpu.memory_space<hbm>>) target_semaphore(%arg21 : memref<!tpu.dma_semaphore, #tpu.memory_space<semaphore_mem>>)
    }
    %scan3A_7 = arith.constant 25 : i32
    %add3A_8 = arith.constant 24576 : i32
    %add3A_9 = arith.addi %mul3A_2, %add3A_8 : i32
    %dma_wait3A = arith.constant 0 : i32
    %dma_wait3A_10 = tpu.memref_slice %arg5[%add3A_9, %dma_wait3A] : memref<819200x128xf32, #tpu.memory_space<hbm>> -> memref<512x64xf32, #tpu.memory_space<hbm>>
    %dma_wait3A_11 = arith.constant 0 : i32
    %dma_wait3A_12 = tpu.memref_slice %arg5[%add3A_9, %dma_wait3A_11] : memref<819200x128xf32, #tpu.memory_space<hbm>> -> memref<512x64xf32, #tpu.memory_space<hbm>>
    tpu.wait_dma2 semaphore(%arg13 : memref<!tpu.dma_semaphore, #tpu.memory_space<semaphore_mem>>) src(%arg10 : memref<512x64xf32, #tpu.memory_space<vmem>>) dst(%dma_wait3A_12 : memref<512x64xf32, #tpu.memory_space<hbm>>)
    %dma_wait3A_13 = arith.constant 64 : i32
    %dma_wait3A_14 = tpu.memref_slice %arg5[%add3A_9, %dma_wait3A_13] : memref<819200x128xf32, #tpu.memory_space<hbm>> -> memref<512x24xf32, #tpu.memory_space<hbm>>
    %dma_wait3A_15 = arith.constant 64 : i32
    %dma_wait3A_16 = tpu.memref_slice %arg5[%add3A_9, %dma_wait3A_15] : memref<819200x128xf32, #tpu.memory_space<hbm>> -> memref<512x24xf32, #tpu.memory_space<hbm>>
    tpu.wait_dma2 semaphore(%arg14 : memref<!tpu.dma_semaphore, #tpu.memory_space<semaphore_mem>>) src(%arg11 : memref<512x24xf32, #tpu.memory_space<vmem>>) dst(%dma_wait3A_16 : memref<512x24xf32, #tpu.memory_space<hbm>>)
    %add3A_17 = arith.constant 25088 : i32
    %add3A_18 = arith.addi %mul3A_2, %add3A_17 : i32
    %dma_wait3A_19 = arith.constant 0 : i32
    %dma_wait3A_20 = tpu.memref_slice %arg5[%add3A_18, %dma_wait3A_19] : memref<819200x128xf32, #tpu.memory_space<hbm>> -> memref<512x64xf32, #tpu.memory_space<hbm>>
    %dma_wait3A_21 = arith.constant 0 : i32
    %dma_wait3A_22 = tpu.memref_slice %arg5[%add3A_18, %dma_wait3A_21] : memref<819200x128xf32, #tpu.memory_space<hbm>> -> memref<512x64xf32, #tpu.memory_space<hbm>>
    tpu.wait_dma2 semaphore(%arg21 : memref<!tpu.dma_semaphore, #tpu.memory_space<semaphore_mem>>) src(%arg18 : memref<512x64xf32, #tpu.memory_space<vmem>>) dst(%dma_wait3A_22 : memref<512x64xf32, #tpu.memory_space<hbm>>)
    %dma_wait3A_23 = arith.constant 64 : i32
    %dma_wait3A_24 = tpu.memref_slice %arg5[%add3A_18, %dma_wait3A_23] : memref<819200x128xf32, #tpu.memory_space<hbm>> -> memref<512x24xf32, #tpu.memory_space<hbm>>
    %dma_wait3A_25 = arith.constant 64 : i32
    %dma_wait3A_26 = tpu.memref_slice %arg5[%add3A_18, %dma_wait3A_25] : memref<819200x128xf32, #tpu.memory_space<hbm>> -> memref<512x24xf32, #tpu.memory_space<hbm>>
    tpu.wait_dma2 semaphore(%arg22 : memref<!tpu.dma_semaphore, #tpu.memory_space<semaphore_mem>>) src(%arg19 : memref<512x24xf32, #tpu.memory_space<vmem>>) dst(%dma_wait3A_26 : memref<512x24xf32, #tpu.memory_space<hbm>>)
    return
  }
}

</mosaic_0001>

<sc_bundles>
// kernel: kernel.3.cloned.1.call-start
scs
__scs_entry_jumppad:
0x0: {  	(pc) =	sbr.rel $0x88, $3  }
0x1: {  	(tag) =	ssettag $0x0;
	lr =	simm.s32 $0x1  }
0x2: {  	[smem:$0x3F9C] =	sst lr;
	_ =	strace $0xD0000000  }
0x3: {  	_ = 	snop  }
0x4: {  	_ = 	snop  }
0x5: {  	_ = 	snop  }
0x6: {  	_ = 	snop  }
0x7: {  	_ = 	snop  }
__scs_overlays_trampoline_lowered:
0x8: {  	[smem:$0x3FAB] =	sst s0  }
0x9: {  	[smem:$0x3FAC] =	sst s1  }
0xa: {  	[smem:$0x3FAD] =	sst s2  }
0xb: {  	[smem:$0x3FAE] =	sst s3  }
0xc: {  	[smem:$0x3FAF] =	sst s4  }
0xd: {  	[smem:$0x3FB0] =	sst s5  }
0xe: {  	[smem:$0x3FB1] =	sst s6  }
0xf: {  	[smem:$0x3FB2] =	sst s7  }
0x10: {  	[smem:$0x3FB3] =	sst s8  }
0x11: {  	[smem:$0x3FB4] =	sst s9;
	s0 =	simm.s32 @!p0 $0x0  }
0x12: {  	s1 =	sld [smem:$0x3F9A];
	s0 =	simm.s32 @p0 $0x1  }
0x13: {  	[smem:$0x3FB5] =	sst s0;
	s0 =	simm.s32 @!p1 $0x0  }
0x14: {  	s2 =	sld [smem:$0x3F99];
	s0 =	simm.s32 @p1 $0x1  }
0x15: {  	[smem:$0x3FB6] =	sst s0;
	s0 =	simm.s32 @!p2 $0x0  }
0x16: {  	s3 =	sld [smem:$0x3FDB];
	s0 =	simm.s32 @p2 $0x1  }
0x17: {  	s4 =	simm.s32 $0x1BF5;
	[smem:$0x3FB8] =	sst s0  }
0x18: {  	s0 =	sld [smem:$0x3F9B];
	_ =	swait.ge [sflag:s4], $0x0  }
0x19: {  	s7 =	sld [smem:$0x3F9C]  }
0x1a: {  	s8 =	sadd.s32 $0xFFFFE003, lr  }
0x1b: {  	s9 =	sadd.s32 $0xFFFFFEF7, lr;
	s5 =	simm.s32 $0xFFFFFFFF;
	p2 =	slt.u32 s8, $0xFFFFF086  }
0x1c: {  	p1 =	slt.u32 s9, $0xF7A;
	s5 =	simm.s32 @!p2 $0x0  }
0x1d: {  	s5 =	simm.s32 @p1 $0x1;
	p0 =	seq.s32 s7, s2  }
0x1e: {  	s7 =	smul.u32 @!p0 $0xF7A, s2;
	p2 =	seq.s32 @!p0 s5, $0x0  }
0x1f: {  	s9 =	smul.u32 $0xF7A, s1;
	s8 =	simm.s32 @!p0 $0x1BF5;
	p2 =	por !p2, p0  }
0x20: {  	[sflag:s8] =	ssyncset.s32 @!p0 $0xFFFFF086;
	s6 =	sadd.s32 @!p0 s3, s7;
	s7 =	simm.s32 @!p0 $0x108  }
0x21: {  	s3 =	sadd.s32 s3, s9;
	s6 =	sadd.s32 @!p0 $0x88, s6;
	s7 =	simm.s32 @p2 $0x1082  }
0x22: {  	[simem:s7], [sflag:s8] =	dma.local @!p0 [hbm:s6], $0xF7A  }
0x23: {  	s9 =	sor.u32 $0xD0000000, s2;
	s6 =	simm.s32 $0x108;
	_ =	swait.ge @!p0 [sflag:s8], $0x0  }
0x24: {  	s3 =	sadd.s32 $0x88, s3;
	s6 =	simm.s32 @!p1 $0x1082;
	[sflag:s4] =	ssyncset.s32 $0xFFFFF086  }
0x25: {  	[simem:s6], [sflag:s4] =	dma.local [hbm:s3], $0xF7A  }
0x26: {  	[smem:$0x3F9C] =	sst s1;
	(tag) =	ssettag s2;
	_ =	strace s9  }
0x27: {  	s1 =	sld [smem:$0x3FAC]  }
0x28: {  	s2 =	sld [smem:$0x3FAD]  }
0x29: {  	s4 =	sld [smem:$0x3FAF]  }
0x2a: {  	p0 =	seq.s32 s5, $0x0;
	s5 =	sld [smem:$0x3FB0]  }
0x2b: {  	s6 =	sld [smem:$0x3FB1]  }
0x2c: {  	s7 =	sld [smem:$0x3FB2]  }
0x2d: {  	s3 =	simm.s32 $0x108;
	s8 =	sld [smem:$0x3FB3]  }
0x2e: {  	s3 =	simm.s32 @!p0 $0x1082;
	s9 =	sld [smem:$0x3FB4]  }
0x2f: {  	lr =	sadd.s32 s0, s3;
	s0 =	sld [smem:$0x3FAB]  }
0x30: {  	s3 =	sld [smem:$0x3FAE]  }
0x31: {  	[smem:$0x3FB7] =	sst s10  }
0x32: {  	s10 =	sld [smem:$0x3FB5];
	_ =	sdelay $0x3  }
0x33: {  	p0 =	seq.s32 s10, $0x1;
	s10 =	sld [smem:$0x3FB7];
	_ =	sdelay $0x3  }
0x34: {  	[smem:$0x3FB7] =	sst s10  }
0x35: {  	s10 =	sld [smem:$0x3FB6];
	_ =	sdelay $0x3  }
0x36: {  	p1 =	seq.s32 s10, $0x1;
	s10 =	sld [smem:$0x3FB7];
	_ =	sdelay $0x3  }
0x37: {  	[smem:$0x3FB7] =	sst s10  }
0x38: {  	s10 =	sld [smem:$0x3FB8]  }
0x39: {  	_ = 	snop;
	(pc) =	sbr.ind lr, $3  }
0x3a: {  	_ = 	snop  }
0x3b: {  	_ = 	snop  }
0x3c: {  	p2 =	seq.s32 s10, $0x1;
	s10 =	sld [smem:$0x3FB7]  }
0x3d: {  	_ =	shalt  }
0x3e: {  	_ =	shalt  }
0x3f: {  	_ =	shalt  }
0x40: {  	_ =	shalt  }
0x41: {  	_ =	shalt  }
0x42: {  	_ =	shalt  }
0x43: {  	_ =	shalt  }
0x44: {  	_ =	shalt  }
0x45: {  	_ =	shalt  }
0x46: {  	_ =	shalt  }
0x47: {  	_ =	shalt  }
0x48: {  	_ =	shalt  }
0x49: {  	_ =	shalt  }
0x4a: {  	_ =	shalt  }
0x4b: {  	_ =	shalt  }
0x4c: {  	_ =	shalt  }
0x4d: {  	_ =	shalt  }
0x4e: {  	_ =	shalt  }
0x4f: {  	_ =	shalt  }
0x50: {  	_ =	shalt  }
0x51: {  	_ =	shalt  }
0x52: {  	_ =	shalt  }
0x53: {  	_ =	shalt  }
0x54: {  	_ =	shalt  }
0x55: {  	_ =	shalt  }
0x56: {  	_ =	shalt  }
0x57: {  	_ =	shalt  }
0x58: {  	_ =	shalt  }
0x59: {  	_ =	shalt  }
0x5a: {  	_ =	shalt  }
0x5b: {  	_ =	shalt  }
0x5c: {  	_ =	shalt  }
0x5d: {  	_ =	shalt  }
0x5e: {  	_ =	shalt  }
0x5f: {  	_ =	shalt  }
0x60: {  	_ =	shalt  }
0x61: {  	_ =	shalt  }
0x62: {  	_ =	shalt  }
0x63: {  	_ =	shalt  }
0x64: {  	_ =	shalt  }
0x65: {  	_ =	shalt  }
0x66: {  	_ =	shalt  }
0x67: {  	_ =	shalt  }
0x68: {  	_ =	shalt  }
0x69: {  	_ =	shalt  }
0x6a: {  	_ =	shalt  }
0x6b: {  	_ =	shalt  }
0x6c: {  	_ =	shalt  }
0x6d: {  	_ =	shalt  }
0x6e: {  	_ =	shalt  }
0x6f: {  	_ =	shalt  }
0x70: {  	_ =	shalt  }
0x71: {  	_ =	shalt  }
0x72: {  	_ =	shalt  }
0x73: {  	_ =	shalt  }
0x74: {  	_ =	shalt  }
0x75: {  	_ =	shalt  }
0x76: {  	_ =	shalt  }
0x77: {  	_ =	shalt  }
0x78: {  	_ =	shalt  }
0x79: {  	_ =	shalt  }
0x7a: {  	_ =	shalt  }
0x7b: {  	_ =	shalt  }
0x7c: {  	_ =	shalt  }
0x7d: {  	_ =	shalt  }
0x7e: {  	_ =	shalt  }
0x7f: {  	_ =	shalt  }
0x80: {  	_ =	shalt  }
0x81: {  	_ =	shalt  }
0x82: {  	_ =	shalt  }
0x83: {  	_ =	shalt  }
0x84: {  	_ =	shalt  }
0x85: {  	_ =	shalt  }
0x86: {  	_ =	shalt  }
0x87: {  	_ =	shalt  }
.Lfunc_end0:
.L_simem_size_0:
called_computation.1_lowered:
.L_overlay_start_0:
0x88: {  	s2 =	sld [smem:$0x3FD9]  }
0x89: {  	s3 =	sld [smem:$0x3FFE];
	_ =	sdelay $0x1  }
0x8a: {  	s1 =	srdreg.scid  }
0x8b: {  	s0 =	sand.u32 $0x1, s1  }
0x8c: {  	s17 =	sshll.u32 s0, $0xA;
	s2 =	sadd.s32 s3, s2  }
0x8d: {  	s2 =	sadd.s32 s2, s17  }
0x8e: {  	[smem:$0x3FC3] =	sst s2  }
0x8f: {  	_ = 	snop  }
0x90: {  	s2 =	sld [smem:$0x3FD0];
	(tm) =	ssettm $0x1  }
0x91: {  	s18 =	sld [smem:$0x3FFB];
	_ =	sdelay $0x3  }
0x92: {  	_ =	strace s18  }
0x93: {  	s3 =	sld [smem:$0x3FFC];
	_ =	sdelay $0x3  }
0x94: {  	_ =	strace s3  }
0x95: {  	s3 =	sld [smem:$0x3FFD];
	_ =	sdelay $0x3  }
0x96: {  	_ =	strace s3  }
0x97: {  	_ =	strace $0x8FFFFFFF  }
0x98: {  	s19 =	sld [smem:$0x3FDB];
	_ =	sdelay $0x1  }
0x99: {  	s4 =	simm.s32 $_scs_section_size  }
0x9a: {  	s5 =	simm.s32 $_size__tile_overlayer_lowered;
	s6 =	simm.s32 $_tile_overlayer_lowered  }
0x9b: {  	s22 =	simm.s32 $0x1BFF;
	s21 =	sshll.u32 s6, $0x1;
	s3 =	sadd.s32 s4, s19  }
0x9c: {  	s7 =	simm.s32 $0x0;
	s20 =	sshll.u32 s5, $0x1;
	s5 =	sadd.s32 s21, s3  }
0x9d: {  	[timem:s7], [sflag:s22] =	dma.local [hbm:s5], s20  }
0x9e: {  	_ =	swait.ge [sflag:s22], s20  }
0x9f: {  	s4 =	ssub.s32 $0x0, s20;
	[sflag:s22] =	ssyncset.done $0x0  }
0xa0: {  	[sflag:s22] =	ssyncadd.s32 s4;
	_ =	sdelay $0x1  }
0xa1: {  	s23 =	simm.s32 $0x1B8B  }
0xa2: {  	_ =	swait.ge [sflag:s23], $0x1  }
0xa3: {  	[sflag:s23] =	ssyncset.done $0x0  }
0xa4: {  	s25 =	simm.s32 $0x1B8E;
	s24 =	sld [smem:$0x3FFE];
	[sflag:s23] =	ssyncadd.s32 $0xFFFFFFFF  }
0xa5: {  	s26 =	simm.s32 $execute0_lowered;
	[smem:$0x3FD2] =	sst s25  }
0xa6: {  	s5 =	sshll.u32 s26, $0x1;
	_ =	strace $0x80000046;
	[dreg:$0x1] =	wrdreg $0xFFFFFFFF  }
0xa7: {  	s28 =	simm.s32 $_size_execute0_lowered;
	s3 =	sadd.s32 s3, s5;
	[dreg:$0x0] =	wrdreg $0x0  }
0xa8: {  	s5 =	sshll.u32 s28, $0x1;
	[dreg:$0x2] =	wrdreg s3  }
0xa9: {  	[dreg:$0x3] =	wrdreg s5  }
0xaa: {  	[dreg:$0x4] =	wrdreg $0xC0  }
0xab: {  	_ =	task [dreg:s7], $0x5FFFF  }
0xac: {  	[dreg:$0x1] =	wrdreg $0xFFFFFFFF  }
0xad: {  	[dreg:$0x0] =	wrdreg $0x60  }
0xae: {  	[dreg:$0x2] =	wrdreg s24  }
0xaf: {  	[dreg:$0x3] =	wrdreg s2  }
0xb0: {  	[dreg:$0x4] =	wrdreg $0x9  }
0xb1: {  	_ =	task.clear_ibuf [dreg:s7], $0x5FFFF;
	_ =	strace $0x90000046  }
0xb2: {  	s29 =	simm.s32 $0x9;
	_ =	strace $0x80000048  }
0xb3: {  	_ =	swait.ge [sflag:s29], $0x1  }
0xb4: {  	[sflag:s29] =	ssyncadd.s32 $0xFFFFFFFF  }
0xb5: {  	_ =	strace $0x90000048  }
0xb6: {  	_ =	sfence  }
0xb7: {  	s30 =	sld [smem:$0x0];
	_ =	sdelay $0x2  }
0xb8: {  	s31 =	sshll.u32 s1, $0xD;
	s1 =	sshrl.u32 s1, $0x2  }
0xb9: {  	s3 =	sand.u32 $0x4000, s31;
	s1 =	sadd.s32 s1, s30  }
0xba: {  	s0 =	sor.u32 s3, s0;
	s1 =	sshll.u32 s1, $0x11  }
0xbb: {  	s0 =	sor.u32 s1, s0  }
0xbc: {  	s0 =	sadd.s32 $0x8F2B, s0  }
0xbd: {  	[sflag:s0] =	ssyncadd.remote.s32 $0x1  }
0xbe: {  	_ =	sfence.sel $0xFFFF  }
0xbf: {  	[dreg:$0x0] =	wrdreg $0xFFFFFFFF;
	(pc) =	sbr.abs _section_cstart, $3  }
0xc0: {  	[dreg:$0x1] =	wrdreg $0xFFFFFFFF  }
0xc1: {  	_ =	task.clear_ibuf [dreg:s7], $0x2FFFF;
	_ =	strace $0x9FFFFFFF  }
0xc2: {  	(tm) =	ssettm $0x7FFFFFFF  }
0xc3: {  	_ =	shalt  }
tec
execute0_lowered:
.L_overlay_start_1:
0x0: {  	(tag) =	ssettag $0x1  }
0x1: {  	s0 =	rddreg [dreg:$0x0]  }
0x2: {  	s1 =	rddreg [dreg:$0x1]  }
0x3: {  	s2 =	simm.s32 $0x0;
	s3 =	srdreg.scid;
	s6 =	stileid.u32  }
0x4: {  	s10 =	simm.s32 $0x7;
	s11 =	simm.s32 $0x2EE0;
	s12 =	simm.s32 $0x200  }
0x5: {  	s13 =	simm.s32 $0x30E0;
	s14 =	simm.s32 $0x34E0;
	s15 =	simm.s32 $0xB4E0  }
0x6: {  	v0 =	vlaneseq.u32;
	s16 =	simm.s32 $0x18;
	s17 =	simm.s32 $0x80;
	s18 =	simm.s32 $0x1  }
0x7: {  	s19 =	simm.s32 $0x40;
	s20 =	simm.s32 $0xE4E0;
	s21 =	simm.s32 $0xE6E0;
	v0 =	vmul.u32 $0x18, v0  }
0x8: {  	s22 =	simm.s32 $0xEAE0;
	s23 =	simm.s32 $0x16AE0;
	s24 =	simm.s32 $0x4  }
0x9: {  	s29 =	simm.s32 $0x6;
	s30 =	simm.s32 $0x0;
	s3 =	sand.u32 $0x1, s3;
	v1 =	vor.u32 $0x1, v0;
	v2 =	vor.u32 $0x2, v0;
	v3 =	vor.u32 $0x3, v0  }
0xa: {  	[smem:$0x7FF] =	sst s2;
	s4 =	sadd.s32 $0x1000, s0;
	s28 =	ssub.s32 $0x2, s3;
	v4 =	vor.u32 $0x4, v0;
	v5 =	vor.u32 $0x5, v0;
	v6 =	vor.u32 $0x6, v0  }
0xb: {  	s5 =	sadd.s32 $0x1A000, s0;
	s7 =	sshll.u32 s6, $0x1;
	s8 =	sshrl.u32 s28, $0x1;
	v7 =	vor.u32 $0x7, v0;
	v8 =	vadd.s32 $0x8, v0;
	v9 =	vadd.s32 $0x9, v0  }
0xc: {  	_ =	strace $0x80000047;
	[dreg:$0x3] =	wrdreg s5;
	v10 =	vadd.s32 $0xA, v0;
	v11 =	vadd.s32 $0xB, v0;
	v12 =	vadd.s32 $0xC, v0;
	s5 =	ssub.s32 s28, s8  }
0xd: {  	s6 =	sadd.s32 $0x1A600, s0;
	s3 =	sor.u32 s3, s7;
	v13 =	vadd.s32 $0xD, v0;
	v14 =	vadd.s32 $0xE, v0;
	v15 =	vadd.s32 $0xF, v0;
	s31 =	smax.u32 s5, $0x1  }
0xe: {  	s7 =	smul.u32 $0x6400, s3;
	v16 =	vadd.s32 $0x10, v0;
	v17 =	vadd.s32 $0x11, v0;
	v18 =	vadd.s32 $0x12, v0;
	s8 =	sadd.s32 $0x1A608, s0;
	[dreg:$0x4] =	wrdreg s31  }
.LBB2_1:
0xf: {  	s0 =	rddreg [dreg:$0x3]  }
0x10: {  	[tilespmem:s2], [sflag:$0x7] =	stream.linear.gather [hbm4b:s0+s2], $0x2EE0, $0x38;
	[tilespmem:$0x19AE0] =	vst v63  }
0x11: {  	_ =	swait.ge [sflag:s10], $0x2EE0  }
0x12: {  	[sflag:s10] =	ssyncset.done $0x0  }
0x13: {  	s31 =	simm.s32 $0x0;
	[sflag:s10] =	ssyncadd.s32 $0xFFFFD120  }
.LBB2_2:
0x14: {  	p0 =	seq.s32 s31, $0x0  }
0x15: {  	s3 =	simm.s32 @!p0 $0x2  }
0x16: {  	_ =	swait.ge @!p0 [sflag:s3], $0x8000  }
0x17: {  	[sflag:s3] =	ssyncset.done @!p0 $0x0  }
0x18: {  	s0 =	sshll.u32 s31, $0xA;
	s5 =	simm.s32 @!p0 $0x3;
	[sflag:s3] =	ssyncadd.s32 @!p0 $0xFFFF8000  }
0x19: {  	s3 =	sadd.s32 s7, s0;
	_ =	swait.ge @!p0 [sflag:s5], $0x3000  }
0x1a: {  	s9 =	sshrl.u32 s3, $0x3;
	[sflag:s5] =	ssyncset.done @!p0 $0x0  }
0x1b: {  	s25 =	simm.s32 $0x0;
	s9 =	sadd.s32 s4, s9;
	[sflag:s5] =	ssyncadd.s32 @!p0 $0xFFFFD000  }
0x1c: {  	[tilespmem:s11], [sflag:$0x7] =	stream.linear.gather [hbm4b:s9+s25], $0x200, $0x38;
	[tilespmem:$0x19AE0] =	vst v63  }
0x1d: {  	s26 =	sand.u32 $0x600, s25;
	_ =	swait.ge [sflag:s10], $0x200  }
0x1e: {  	s5 =	sshrl.u32 s26, $0x2;
	s9 =	sand.u32 $0x70, s25;
	[sflag:s10] =	ssyncset.done $0x0  }
0x1f: {  	s5 =	sor.u32 s9, s5;
	[sflag:s10] =	ssyncadd.s32 $0xFFFFFE00  }
0x20: {  	v19 =	vld [tilespmem:s5+$0x2EE0];
	_ =	sdelay $0x3  }
0x21: {  	s26 =	simm.s32 $0x0;
	s5 =	simm.s32 $0x40  }
0x22: {  	s25 =	simm.s32 $0x10;
	s9 =	simm.s32 $0x20;
	s28 =	sand.u32 $0x600, s5;
	v20 =	vand.u32 $0xFFFFF, v19;
	v19 =	vshrl.u32 v19, $0x14  }
.LBB2_3:
0x23: {  	p1 =	sne.s32 s9, $0x1F0;
	s25 =	sand.u32 $0x70, s25;
	s28 =	sshrl.u32 s28, $0x2;
	[tilespmem:s26+$0x30E0] =	vst v20  }
0x24: {  	s28 =	sor.u32 s25, s28;
	[tilespmem:s26+$0x32E0] =	vst v19;
	s26 =	smov.u32 s5;
	s25 =	smov.u32 s9  }
0x25: {  	v19 =	vld [tilespmem:s28+$0x2EE0]  }
.Ltmp0:
0x26: {  	(pc) =	sbr.rel @p1 .LBB2_3-.Ltmp0, $3  }
0x27: {  	_ =	sdelay $0x1  }
0x28: {  	s5 =	sadd.s32 $0x40, s5  }
0x29: {  	s9 =	sadd.s32 $0x10, s9;
	s28 =	sand.u32 $0x600, s5;
	s26 =	sshra.s32 s26, $0x2;
	v20 =	vand.u32 $0xFFFFF, v19;
	v19 =	vshrl.u32 v19, $0x14  }
0x2a: {  	s9 =	sand.u32 $0x70, s25;
	s28 =	sshrl.u32 s28, $0x2;
	[tilespmem:s26+$0x30E0] =	vst v20  }
0x2b: {  	[tilespmem:s26+$0x32E0] =	vst v19;
	s9 =	sor.u32 s9, s28  }
0x2c: {  	v19 =	vld [tilespmem:s9+$0x2EE0];
	_ =	sdelay $0x4  }
0x2d: {  	s5 =	sshra.s32 s5, $0x2;
	v20 =	vand.u32 $0xFFFFF, v19  }
0x2e: {  	v19 =	vshrl.u32 v19, $0x14;
	[tilespmem:s5+$0x30E0] =	vst v20  }
0x2f: {  	[tilespmem:s5+$0x32E0] =	vst v19;
	s5 =	simm.s32 $0x32E0  }
0x30: {  	[tilespmem:s14], [sflag:$0x1] =	stream.indirect.gather [hbm4b:s1+s12], $0x40, s13, s12, $0xb8;
	[tilespmem:$0x19AE0] =	vst v63  }
0x31: {  	v19 =	vld [tilespmem:s5+$0x0];
	_ =	sdelay $0x4  }
0x32: {  	s28 =	simm.s32 $0x0;
	v19 =	vmul.u32 $0x18, v19  }
0x33: {  	v20 =	vmov s28  }
0x34: {  	v20 =	vmul.u32 $0x18, v20;
	_ =	sdelay $0x1  }
0x35: {  	v21 =	vbroadcast v20, $0x0;
	_ =	sdelay $0x1  }
0x36: {  	v22 =	vadd.s32 v0, v21;
	v20 =	vld.idx.msk [tilespmem:v19+s2+$0x0], $0xffff  }
0x37: {  	v23 =	vor.u32 $0x1, v19;
	_ =	sdelay $0x3  }
0x38: {  	[tilespmem:v22+s15+$0x0] =	vst.idx.msk $0xffff, v20  }
0x39: {  	v22 =	vadd.s32 v1, v21;
	v20 =	vld.idx.msk [tilespmem:v23+s2+$0x0], $0xffff  }
0x3a: {  	v23 =	vor.u32 $0x2, v19;
	_ =	sdelay $0x3  }
0x3b: {  	[tilespmem:v22+s15+$0x0] =	vst.idx.msk $0xffff, v20  }
0x3c: {  	v22 =	vadd.s32 v2, v21;
	v20 =	vld.idx.msk [tilespmem:v23+s2+$0x0], $0xffff  }
0x3d: {  	v23 =	vor.u32 $0x3, v19;
	_ =	sdelay $0x3  }
0x3e: {  	[tilespmem:v22+s15+$0x0] =	vst.idx.msk $0xffff, v20  }
0x3f: {  	v22 =	vadd.s32 v3, v21;
	v20 =	vld.idx.msk [tilespmem:v23+s2+$0x0], $0xffff  }
0x40: {  	v23 =	vor.u32 $0x4, v19;
	_ =	sdelay $0x3  }
0x41: {  	[tilespmem:v22+s15+$0x0] =	vst.idx.msk $0xffff, v20  }
0x42: {  	v22 =	vadd.s32 v4, v21;
	v20 =	vld.idx.msk [tilespmem:v23+s2+$0x0], $0xffff  }
0x43: {  	v23 =	vor.u32 $0x5, v19;
	_ =	sdelay $0x3  }
0x44: {  	[tilespmem:v22+s15+$0x0] =	vst.idx.msk $0xffff, v20  }
0x45: {  	v22 =	vadd.s32 v5, v21;
	v20 =	vld.idx.msk [tilespmem:v23+s2+$0x0], $0xffff  }
0x46: {  	v23 =	vor.u32 $0x6, v19;
	_ =	sdelay $0x3  }
0x47: {  	[tilespmem:v22+s15+$0x0] =	vst.idx.msk $0xffff, v20  }
0x48: {  	v22 =	vadd.s32 v6, v21;
	v20 =	vld.idx.msk [tilespmem:v23+s2+$0x0], $0xffff  }
0x49: {  	v23 =	vor.u32 $0x7, v19;
	_ =	sdelay $0x3  }
0x4a: {  	[tilespmem:v22+s15+$0x0] =	vst.idx.msk $0xffff, v20  }
0x4b: {  	v22 =	vadd.s32 v7, v21;
	v20 =	vld.idx.msk [tilespmem:v23+s2+$0x0], $0xffff  }
0x4c: {  	v23 =	vadd.s32 $0x8, v19;
	_ =	sdelay $0x3  }
0x4d: {  	[tilespmem:v22+s15+$0x0] =	vst.idx.msk $0xffff, v20  }
0x4e: {  	v22 =	vadd.s32 v8, v21;
	v20 =	vld.idx.msk [tilespmem:v23+s2+$0x0], $0xffff  }
0x4f: {  	v23 =	vadd.s32 $0x9, v19;
	_ =	sdelay $0x3  }
0x50: {  	[tilespmem:v22+s15+$0x0] =	vst.idx.msk $0xffff, v20  }
0x51: {  	v22 =	vadd.s32 v9, v21;
	v20 =	vld.idx.msk [tilespmem:v23+s2+$0x0], $0xffff  }
0x52: {  	v23 =	vadd.s32 $0xA, v19;
	_ =	sdelay $0x3  }
0x53: {  	[tilespmem:v22+s15+$0x0] =	vst.idx.msk $0xffff, v20  }
0x54: {  	v22 =	vadd.s32 v10, v21;
	v20 =	vld.idx.msk [tilespmem:v23+s2+$0x0], $0xffff  }
0x55: {  	v23 =	vadd.s32 $0xB, v19;
	_ =	sdelay $0x3  }
0x56: {  	[tilespmem:v22+s15+$0x0] =	vst.idx.msk $0xffff, v20  }
0x57: {  	v22 =	vadd.s32 v11, v21;
	v20 =	vld.idx.msk [tilespmem:v23+s2+$0x0], $0xffff  }
0x58: {  	v23 =	vadd.s32 $0xC, v19;
	_ =	sdelay $0x3  }
0x59: {  	[tilespmem:v22+s15+$0x0] =	vst.idx.msk $0xffff, v20  }
0x5a: {  	v22 =	vadd.s32 v12, v21;
	v20 =	vld.idx.msk [tilespmem:v23+s2+$0x0], $0xffff  }
0x5b: {  	v23 =	vadd.s32 $0xD, v19;
	_ =	sdelay $0x3  }
0x5c: {  	[tilespmem:v22+s15+$0x0] =	vst.idx.msk $0xffff, v20  }
0x5d: {  	v22 =	vadd.s32 v13, v21;
	v20 =	vld.idx.msk [tilespmem:v23+s2+$0x0], $0xffff  }
0x5e: {  	v23 =	vadd.s32 $0xE, v19;
	_ =	sdelay $0x3  }
0x5f: {  	[tilespmem:v22+s15+$0x0] =	vst.idx.msk $0xffff, v20  }
0x60: {  	v22 =	vadd.s32 v14, v21;
	v20 =	vld.idx.msk [tilespmem:v23+s2+$0x0], $0xffff  }
0x61: {  	v23 =	vadd.s32 $0xF, v19;
	_ =	sdelay $0x3  }
0x62: {  	[tilespmem:v22+s15+$0x0] =	vst.idx.msk $0xffff, v20  }
0x63: {  	v22 =	vadd.s32 v15, v21;
	v20 =	vld.idx.msk [tilespmem:v23+s2+$0x0], $0xffff  }
0x64: {  	v23 =	vadd.s32 $0x10, v19;
	_ =	sdelay $0x3  }
0x65: {  	[tilespmem:v22+s15+$0x0] =	vst.idx.msk $0xffff, v20  }
0x66: {  	v22 =	vadd.s32 v16, v21;
	v20 =	vld.idx.msk [tilespmem:v23+s2+$0x0], $0xffff  }
0x67: {  	v23 =	vadd.s32 $0x11, v19;
	_ =	sdelay $0x3  }
0x68: {  	[tilespmem:v22+s15+$0x0] =	vst.idx.msk $0xffff, v20  }
0x69: {  	v22 =	vadd.s32 v17, v21;
	v20 =	vld.idx.msk [tilespmem:v23+s2+$0x0], $0xffff  }
0x6a: {  	v19 =	vadd.s32 $0x12, v19;
	_ =	sdelay $0x3  }
0x6b: {  	[tilespmem:v22+s15+$0x0] =	vst.idx.msk $0xffff, v20  }
0x6c: {  	s9 =	simm.s32 $0x10;
	v20 =	vld.idx.msk [tilespmem:v19+s2+$0x0], $0xffff;
	v19 =	vadd.s32 v18, v21  }
.LBB2_5:
0x6d: {  	_ =	sdelay $0x2  }
0x6e: {  	p1 =	sne.s32 s9, $0x1F0  }
0x6f: {  	s5 =	sadd.s32 $0x10, s5;
	s25 =	smov.u32 s9;
	s9 =	sadd.s32 $0x10, s9;
	[tilespmem:v19+s15+$0x0] =	vst.idx.msk $0xffff, v20  }
0x70: {  	v19 =	vld [tilespmem:s5+$0x0];
	_ =	sdelay $0x4  }
0x71: {  	v20 =	vmul.u32 $0x18, v19;
	_ =	sdelay $0x1  }
0x72: {  	v19 =	vmov s25  }
0x73: {  	v19 =	vmul.u32 $0x18, v19;
	_ =	sdelay $0x1  }
0x74: {  	v19 =	vbroadcast v19, $0x0  }
0x75: {  	v21 =	vld.idx.msk [tilespmem:v20+s2+$0x0], $0xffff  }
0x76: {  	v22 =	vadd.s32 v0, v19  }
0x77: {  	v23 =	vor.u32 $0x1, v20;
	_ =	sdelay $0x3  }
0x78: {  	[tilespmem:v22+s15+$0x0] =	vst.idx.msk $0xffff, v21  }
0x79: {  	v21 =	vld.idx.msk [tilespmem:v23+s2+$0x0], $0xffff  }
0x7a: {  	v22 =	vadd.s32 v1, v19  }
0x7b: {  	v23 =	vor.u32 $0x2, v20;
	_ =	sdelay $0x3  }
0x7c: {  	[tilespmem:v22+s15+$0x0] =	vst.idx.msk $0xffff, v21  }
0x7d: {  	v21 =	vld.idx.msk [tilespmem:v23+s2+$0x0], $0xffff  }
0x7e: {  	v22 =	vadd.s32 v2, v19  }
0x7f: {  	v23 =	vor.u32 $0x3, v20;
	_ =	sdelay $0x3  }
0x80: {  	[tilespmem:v22+s15+$0x0] =	vst.idx.msk $0xffff, v21  }
0x81: {  	v21 =	vld.idx.msk [tilespmem:v23+s2+$0x0], $0xffff  }
0x82: {  	v22 =	vadd.s32 v3, v19  }
0x83: {  	v23 =	vor.u32 $0x4, v20;
	_ =	sdelay $0x3  }
0x84: {  	[tilespmem:v22+s15+$0x0] =	vst.idx.msk $0xffff, v21  }
0x85: {  	v21 =	vld.idx.msk [tilespmem:v23+s2+$0x0], $0xffff  }
0x86: {  	v22 =	vadd.s32 v4, v19  }
0x87: {  	v23 =	vor.u32 $0x5, v20;
	_ =	sdelay $0x3  }
0x88: {  	[tilespmem:v22+s15+$0x0] =	vst.idx.msk $0xffff, v21  }
0x89: {  	v21 =	vld.idx.msk [tilespmem:v23+s2+$0x0], $0xffff  }
0x8a: {  	v22 =	vadd.s32 v5, v19  }
0x8b: {  	v23 =	vor.u32 $0x6, v20;
	_ =	sdelay $0x3  }
0x8c: {  	[tilespmem:v22+s15+$0x0] =	vst.idx.msk $0xffff, v21  }
0x8d: {  	v21 =	vld.idx.msk [tilespmem:v23+s2+$0x0], $0xffff  }
0x8e: {  	v22 =	vadd.s32 v6, v19  }
0x8f: {  	v23 =	vor.u32 $0x7, v20;
	_ =	sdelay $0x3  }
0x90: {  	[tilespmem:v22+s15+$0x0] =	vst.idx.msk $0xffff, v21  }
0x91: {  	v21 =	vld.idx.msk [tilespmem:v23+s2+$0x0], $0xffff  }
0x92: {  	v22 =	vadd.s32 v7, v19  }
0x93: {  	v23 =	vadd.s32 $0x8, v20;
	_ =	sdelay $0x3  }
0x94: {  	[tilespmem:v22+s15+$0x0] =	vst.idx.msk $0xffff, v21  }
0x95: {  	v21 =	vld.idx.msk [tilespmem:v23+s2+$0x0], $0xffff  }
0x96: {  	v22 =	vadd.s32 v8, v19  }
0x97: {  	v23 =	vadd.s32 $0x9, v20;
	_ =	sdelay $0x3  }
0x98: {  	[tilespmem:v22+s15+$0x0] =	vst.idx.msk $0xffff, v21  }
0x99: {  	v21 =	vld.idx.msk [tilespmem:v23+s2+$0x0], $0xffff  }
0x9a: {  	v22 =	vadd.s32 v9, v19  }
0x9b: {  	v23 =	vadd.s32 $0xA, v20;
	_ =	sdelay $0x3  }
0x9c: {  	[tilespmem:v22+s15+$0x0] =	vst.idx.msk $0xffff, v21  }
0x9d: {  	v21 =	vld.idx.msk [tilespmem:v23+s2+$0x0], $0xffff  }
0x9e: {  	v22 =	vadd.s32 v10, v19  }
0x9f: {  	v23 =	vadd.s32 $0xB, v20;
	_ =	sdelay $0x3  }
0xa0: {  	[tilespmem:v22+s15+$0x0] =	vst.idx.msk $0xffff, v21  }
0xa1: {  	v21 =	vld.idx.msk [tilespmem:v23+s2+$0x0], $0xffff  }
0xa2: {  	v22 =	vadd.s32 v11, v19  }
0xa3: {  	v23 =	vadd.s32 $0xC, v20;
	_ =	sdelay $0x3  }
0xa4: {  	[tilespmem:v22+s15+$0x0] =	vst.idx.msk $0xffff, v21  }
0xa5: {  	v21 =	vld.idx.msk [tilespmem:v23+s2+$0x0], $0xffff  }
0xa6: {  	v22 =	vadd.s32 v12, v19  }
0xa7: {  	v23 =	vadd.s32 $0xD, v20;
	_ =	sdelay $0x3  }
0xa8: {  	[tilespmem:v22+s15+$0x0] =	vst.idx.msk $0xffff, v21  }
0xa9: {  	v21 =	vld.idx.msk [tilespmem:v23+s2+$0x0], $0xffff  }
0xaa: {  	v22 =	vadd.s32 v13, v19  }
0xab: {  	v23 =	vadd.s32 $0xE, v20;
	_ =	sdelay $0x3  }
0xac: {  	[tilespmem:v22+s15+$0x0] =	vst.idx.msk $0xffff, v21  }
0xad: {  	v21 =	vld.idx.msk [tilespmem:v23+s2+$0x0], $0xffff  }
0xae: {  	v22 =	vadd.s32 v14, v19  }
0xaf: {  	v23 =	vadd.s32 $0xF, v20;
	_ =	sdelay $0x3  }
0xb0: {  	[tilespmem:v22+s15+$0x0] =	vst.idx.msk $0xffff, v21  }
0xb1: {  	v21 =	vld.idx.msk [tilespmem:v23+s2+$0x0], $0xffff  }
0xb2: {  	v22 =	vadd.s32 v15, v19  }
0xb3: {  	v23 =	vadd.s32 $0x10, v20;
	_ =	sdelay $0x3  }
0xb4: {  	[tilespmem:v22+s15+$0x0] =	vst.idx.msk $0xffff, v21  }
0xb5: {  	v21 =	vld.idx.msk [tilespmem:v23+s2+$0x0], $0xffff  }
0xb6: {  	v22 =	vadd.s32 v16, v19  }
0xb7: {  	v23 =	vadd.s32 $0x11, v20;
	_ =	sdelay $0x3  }
0xb8: {  	[tilespmem:v22+s15+$0x0] =	vst.idx.msk $0xffff, v21  }
0xb9: {  	v21 =	vld.idx.msk [tilespmem:v23+s2+$0x0], $0xffff  }
0xba: {  	v22 =	vadd.s32 v17, v19  }
0xbb: {  	v20 =	vadd.s32 $0x12, v20;
	_ =	sdelay $0x1  }
.Ltmp1:
0xbc: {  	(pc) =	sbr.rel @p1 .LBB2_5-.Ltmp1, $4  }
0xbd: {  	_ = 	snop  }
0xbe: {  	[tilespmem:v22+s15+$0x0] =	vst.idx.msk $0xffff, v21  }
0xbf: {  	v20 =	vld.idx.msk [tilespmem:v20+s2+$0x0], $0xffff  }
0xc0: {  	v19 =	vadd.s32 v18, v19  }
0xc1: {  	_ =	sdelay $0x2  }
0xc2: {  	s3 =	sshll.u32 s3, $0x4  }
0xc3: {  	s5 =	sadd.s32 s3, s8;
	[tilespmem:v19+s15+$0x0] =	vst.idx.msk $0xffff, v20  }
0xc4: {  	[hbm4b:s5+s16] =	stream.strided.scatter [tilespmem:s15], [sflag:$0x3], $0x3000, s17, s16, $0x38;
	[tilespmem:$0x19AE0] =	vst v63  }
0xc5: {  	_ =	swait.ge [sflag:s18], $0x8000  }
0xc6: {  	[sflag:s18] =	ssyncset.done $0x0  }
0xc7: {  	s3 =	sadd.s32 s6, s3;
	[sflag:s18] =	ssyncadd.s32 $0xFFFF8000  }
0xc8: {  	[hbm4b:s3+s19] =	stream.strided.scatter [tilespmem:s14], [sflag:$0x2], $0x8000, s17, s19, $0x38;
	[tilespmem:$0x19AE0] =	vst v63  }
0xc9: {  	s3 =	simm.s32 @!p0 $0x5  }
0xca: {  	_ =	swait.ge @!p0 [sflag:s3], $0x8000  }
0xcb: {  	[sflag:s3] =	ssyncset.done @!p0 $0x0  }
0xcc: {  	s0 =	sadd.s32 s0, s7;
	[sflag:s3] =	ssyncadd.s32 @!p0 $0xFFFF8000;
	s3 =	simm.s32 @!p0 $0x6  }
0xcd: {  	s0 =	sadd.s32 $0x200, s0;
	_ =	swait.ge @!p0 [sflag:s3], $0x3000  }
0xce: {  	s9 =	sshrl.u32 s0, $0x3;
	[sflag:s3] =	ssyncset.done @!p0 $0x0  }
0xcf: {  	s26 =	simm.s32 $0x0;
	s25 =	sadd.s32 s4, s9;
	[sflag:s3] =	ssyncadd.s32 @!p0 $0xFFFFD000  }
0xd0: {  	[tilespmem:s20], [sflag:$0x7] =	stream.linear.gather [hbm4b:s25+s26], $0x200, $0x38;
	[tilespmem:$0x19AE0] =	vst v63  }
0xd1: {  	s28 =	sand.u32 $0x600, s26;
	_ =	swait.ge [sflag:s10], $0x200  }
0xd2: {  	s5 =	sand.u32 $0x70, s26;
	s3 =	sshrl.u32 s28, $0x2;
	[sflag:s10] =	ssyncset.done $0x0  }
0xd3: {  	s3 =	sor.u32 s5, s3;
	[sflag:s10] =	ssyncadd.s32 $0xFFFFFE00  }
0xd4: {  	v19 =	vld [tilespmem:s3+$0xE4E0];
	_ =	sdelay $0x3  }
0xd5: {  	s9 =	simm.s32 $0x10;
	s3 =	simm.s32 $0x40  }
0xd6: {  	s5 =	simm.s32 $0x20;
	s25 =	simm.s32 $0x0;
	s26 =	sand.u32 $0x600, s3;
	v20 =	vand.u32 $0xFFFFF, v19;
	v19 =	vshrl.u32 v19, $0x14  }
.LBB2_7:
0xd7: {  	p0 =	sne.s32 s5, $0x1F0;
	s9 =	sand.u32 $0x70, s9;
	s26 =	sshrl.u32 s26, $0x2;
	[tilespmem:s25+$0xE6E0] =	vst v20  }
0xd8: {  	s26 =	sor.u32 s9, s26;
	[tilespmem:s25+$0xE8E0] =	vst v19;
	s25 =	smov.u32 s3;
	s9 =	smov.u32 s5  }
0xd9: {  	v19 =	vld [tilespmem:s26+$0xE4E0]  }
.Ltmp2:
0xda: {  	(pc) =	sbr.rel @p0 .LBB2_7-.Ltmp2, $3  }
0xdb: {  	_ =	sdelay $0x1  }
0xdc: {  	s3 =	sadd.s32 $0x40, s3  }
0xdd: {  	s5 =	sadd.s32 $0x10, s5;
	s26 =	sand.u32 $0x600, s3;
	s25 =	sshra.s32 s25, $0x2;
	v20 =	vand.u32 $0xFFFFF, v19;
	v19 =	vshrl.u32 v19, $0x14  }
0xde: {  	s5 =	sand.u32 $0x70, s9;
	s26 =	sshrl.u32 s26, $0x2;
	[tilespmem:s25+$0xE6E0] =	vst v20  }
0xdf: {  	[tilespmem:s25+$0xE8E0] =	vst v19;
	s5 =	sor.u32 s5, s26  }
0xe0: {  	v19 =	vld [tilespmem:s5+$0xE4E0];
	_ =	sdelay $0x4  }
0xe1: {  	s3 =	sshra.s32 s3, $0x2;
	v20 =	vand.u32 $0xFFFFF, v19  }
0xe2: {  	v19 =	vshrl.u32 v19, $0x14;
	[tilespmem:s3+$0xE6E0] =	vst v20  }
0xe3: {  	[tilespmem:s3+$0xE8E0] =	vst v19;
	s3 =	simm.s32 $0xE8E0  }
0xe4: {  	[tilespmem:s22], [sflag:$0x4] =	stream.indirect.gather [hbm4b:s1+s12], $0x40, s21, s12, $0xb8;
	[tilespmem:$0x19AE0] =	vst v63  }
0xe5: {  	v19 =	vld [tilespmem:s3+$0x0];
	_ =	sdelay $0x4  }
0xe6: {  	s28 =	simm.s32 $0x0;
	v19 =	vmul.u32 $0x18, v19  }
0xe7: {  	v20 =	vmov s28  }
0xe8: {  	v20 =	vmul.u32 $0x18, v20;
	_ =	sdelay $0x1  }
0xe9: {  	v21 =	vbroadcast v20, $0x0;
	_ =	sdelay $0x1  }
0xea: {  	v22 =	vadd.s32 v0, v21;
	v20 =	vld.idx.msk [tilespmem:v19+s2+$0x0], $0xffff  }
0xeb: {  	v23 =	vor.u32 $0x1, v19;
	_ =	sdelay $0x3  }
0xec: {  	[tilespmem:v22+s23+$0x0] =	vst.idx.msk $0xffff, v20  }
0xed: {  	v22 =	vadd.s32 v1, v21;
	v20 =	vld.idx.msk [tilespmem:v23+s2+$0x0], $0xffff  }
0xee: {  	v23 =	vor.u32 $0x2, v19;
	_ =	sdelay $0x3  }
0xef: {  	[tilespmem:v22+s23+$0x0] =	vst.idx.msk $0xffff, v20  }
0xf0: {  	v22 =	vadd.s32 v2, v21;
	v20 =	vld.idx.msk [tilespmem:v23+s2+$0x0], $0xffff  }
0xf1: {  	v23 =	vor.u32 $0x3, v19;
	_ =	sdelay $0x3  }
0xf2: {  	[tilespmem:v22+s23+$0x0] =	vst.idx.msk $0xffff, v20  }
0xf3: {  	v22 =	vadd.s32 v3, v21;
	v20 =	vld.idx.msk [tilespmem:v23+s2+$0x0], $0xffff  }
0xf4: {  	v23 =	vor.u32 $0x4, v19;
	_ =	sdelay $0x3  }
0xf5: {  	[tilespmem:v22+s23+$0x0] =	vst.idx.msk $0xffff, v20  }
0xf6: {  	v22 =	vadd.s32 v4, v21;
	v20 =	vld.idx.msk [tilespmem:v23+s2+$0x0], $0xffff  }
0xf7: {  	v23 =	vor.u32 $0x5, v19;
	_ =	sdelay $0x3  }
0xf8: {  	[tilespmem:v22+s23+$0x0] =	vst.idx.msk $0xffff, v20  }
0xf9: {  	v22 =	vadd.s32 v5, v21;
	v20 =	vld.idx.msk [tilespmem:v23+s2+$0x0], $0xffff  }
0xfa: {  	v23 =	vor.u32 $0x6, v19;
	_ =	sdelay $0x3  }
0xfb: {  	[tilespmem:v22+s23+$0x0] =	vst.idx.msk $0xffff, v20  }
0xfc: {  	v22 =	vadd.s32 v6, v21;
	v20 =	vld.idx.msk [tilespmem:v23+s2+$0x0], $0xffff  }
0xfd: {  	v23 =	vor.u32 $0x7, v19;
	_ =	sdelay $0x3  }
0xfe: {  	[tilespmem:v22+s23+$0x0] =	vst.idx.msk $0xffff, v20  }
0xff: {  	v22 =	vadd.s32 v7, v21;
	v20 =	vld.idx.msk [tilespmem:v23+s2+$0x0], $0xffff  }
0x100: {  	v23 =	vadd.s32 $0x8, v19;
	_ =	sdelay $0x3  }
0x101: {  	[tilespmem:v22+s23+$0x0] =	vst.idx.msk $0xffff, v20  }
0x102: {  	v22 =	vadd.s32 v8, v21;
	v20 =	vld.idx.msk [tilespmem:v23+s2+$0x0], $0xffff  }
0x103: {  	v23 =	vadd.s32 $0x9, v19;
	_ =	sdelay $0x3  }
0x104: {  	[tilespmem:v22+s23+$0x0] =	vst.idx.msk $0xffff, v20  }
0x105: {  	v22 =	vadd.s32 v9, v21;
	v20 =	vld.idx.msk [tilespmem:v23+s2+$0x0], $0xffff  }
0x106: {  	v23 =	vadd.s32 $0xA, v19;
	_ =	sdelay $0x3  }
0x107: {  	[tilespmem:v22+s23+$0x0] =	vst.idx.msk $0xffff, v20  }
0x108: {  	v22 =	vadd.s32 v10, v21;
	v20 =	vld.idx.msk [tilespmem:v23+s2+$0x0], $0xffff  }
0x109: {  	v23 =	vadd.s32 $0xB, v19;
	_ =	sdelay $0x3  }
0x10a: {  	[tilespmem:v22+s23+$0x0] =	vst.idx.msk $0xffff, v20  }
0x10b: {  	v22 =	vadd.s32 v11, v21;
	v20 =	vld.idx.msk [tilespmem:v23+s2+$0x0], $0xffff  }
0x10c: {  	v23 =	vadd.s32 $0xC, v19;
	_ =	sdelay $0x3  }
0x10d: {  	[tilespmem:v22+s23+$0x0] =	vst.idx.msk $0xffff, v20  }
0x10e: {  	v22 =	vadd.s32 v12, v21;
	v20 =	vld.idx.msk [tilespmem:v23+s2+$0x0], $0xffff  }
0x10f: {  	v23 =	vadd.s32 $0xD, v19;
	_ =	sdelay $0x3  }
0x110: {  	[tilespmem:v22+s23+$0x0] =	vst.idx.msk $0xffff, v20  }
0x111: {  	v22 =	vadd.s32 v13, v21;
	v20 =	vld.idx.msk [tilespmem:v23+s2+$0x0], $0xffff  }
0x112: {  	v23 =	vadd.s32 $0xE, v19;
	_ =	sdelay $0x3  }
0x113: {  	[tilespmem:v22+s23+$0x0] =	vst.idx.msk $0xffff, v20  }
0x114: {  	v22 =	vadd.s32 v14, v21;
	v20 =	vld.idx.msk [tilespmem:v23+s2+$0x0], $0xffff  }
0x115: {  	v23 =	vadd.s32 $0xF, v19;
	_ =	sdelay $0x3  }
0x116: {  	[tilespmem:v22+s23+$0x0] =	vst.idx.msk $0xffff, v20  }
0x117: {  	v22 =	vadd.s32 v15, v21;
	v20 =	vld.idx.msk [tilespmem:v23+s2+$0x0], $0xffff  }
0x118: {  	v23 =	vadd.s32 $0x10, v19;
	_ =	sdelay $0x3  }
0x119: {  	[tilespmem:v22+s23+$0x0] =	vst.idx.msk $0xffff, v20  }
0x11a: {  	v22 =	vadd.s32 v16, v21;
	v20 =	vld.idx.msk [tilespmem:v23+s2+$0x0], $0xffff  }
0x11b: {  	v23 =	vadd.s32 $0x11, v19;
	_ =	sdelay $0x3  }
0x11c: {  	[tilespmem:v22+s23+$0x0] =	vst.idx.msk $0xffff, v20  }
0x11d: {  	v22 =	vadd.s32 v17, v21;
	v20 =	vld.idx.msk [tilespmem:v23+s2+$0x0], $0xffff  }
0x11e: {  	v19 =	vadd.s32 $0x12, v19;
	_ =	sdelay $0x3  }
0x11f: {  	[tilespmem:v22+s23+$0x0] =	vst.idx.msk $0xffff, v20  }
0x120: {  	s5 =	simm.s32 $0x10;
	v20 =	vld.idx.msk [tilespmem:v19+s2+$0x0], $0xffff;
	v19 =	vadd.s32 v18, v21  }
.LBB2_9:
0x121: {  	_ =	sdelay $0x2  }
0x122: {  	p0 =	sne.s32 s5, $0x1F0  }
0x123: {  	s3 =	sadd.s32 $0x10, s3;
	s9 =	smov.u32 s5;
	s5 =	sadd.s32 $0x10, s5;
	[tilespmem:v19+s23+$0x0] =	vst.idx.msk $0xffff, v20  }
0x124: {  	v19 =	vld [tilespmem:s3+$0x0];
	_ =	sdelay $0x4  }
0x125: {  	v20 =	vmul.u32 $0x18, v19;
	_ =	sdelay $0x1  }
0x126: {  	v19 =	vmov s9  }
0x127: {  	v19 =	vmul.u32 $0x18, v19;
	_ =	sdelay $0x1  }
0x128: {  	v19 =	vbroadcast v19, $0x0  }
0x129: {  	v21 =	vld.idx.msk [tilespmem:v20+s2+$0x0], $0xffff  }
0x12a: {  	v22 =	vadd.s32 v0, v19  }
0x12b: {  	v23 =	vor.u32 $0x1, v20;
	_ =	sdelay $0x3  }
0x12c: {  	[tilespmem:v22+s23+$0x0] =	vst.idx.msk $0xffff, v21  }
0x12d: {  	v21 =	vld.idx.msk [tilespmem:v23+s2+$0x0], $0xffff  }
0x12e: {  	v22 =	vadd.s32 v1, v19  }
0x12f: {  	v23 =	vor.u32 $0x2, v20;
	_ =	sdelay $0x3  }
0x130: {  	[tilespmem:v22+s23+$0x0] =	vst.idx.msk $0xffff, v21  }
0x131: {  	v21 =	vld.idx.msk [tilespmem:v23+s2+$0x0], $0xffff  }
0x132: {  	v22 =	vadd.s32 v2, v19  }
0x133: {  	v23 =	vor.u32 $0x3, v20;
	_ =	sdelay $0x3  }
0x134: {  	[tilespmem:v22+s23+$0x0] =	vst.idx.msk $0xffff, v21  }
0x135: {  	v21 =	vld.idx.msk [tilespmem:v23+s2+$0x0], $0xffff  }
0x136: {  	v22 =	vadd.s32 v3, v19  }
0x137: {  	v23 =	vor.u32 $0x4, v20;
	_ =	sdelay $0x3  }
0x138: {  	[tilespmem:v22+s23+$0x0] =	vst.idx.msk $0xffff, v21  }
0x139: {  	v21 =	vld.idx.msk [tilespmem:v23+s2+$0x0], $0xffff  }
0x13a: {  	v22 =	vadd.s32 v4, v19  }
0x13b: {  	v23 =	vor.u32 $0x5, v20;
	_ =	sdelay $0x3  }
0x13c: {  	[tilespmem:v22+s23+$0x0] =	vst.idx.msk $0xffff, v21  }
0x13d: {  	v21 =	vld.idx.msk [tilespmem:v23+s2+$0x0], $0xffff  }
0x13e: {  	v22 =	vadd.s32 v5, v19  }
0x13f: {  	v23 =	vor.u32 $0x6, v20;
	_ =	sdelay $0x3  }
0x140: {  	[tilespmem:v22+s23+$0x0] =	vst.idx.msk $0xffff, v21  }
0x141: {  	v21 =	vld.idx.msk [tilespmem:v23+s2+$0x0], $0xffff  }
0x142: {  	v22 =	vadd.s32 v6, v19  }
0x143: {  	v23 =	vor.u32 $0x7, v20;
	_ =	sdelay $0x3  }
0x144: {  	[tilespmem:v22+s23+$0x0] =	vst.idx.msk $0xffff, v21  }
0x145: {  	v21 =	vld.idx.msk [tilespmem:v23+s2+$0x0], $0xffff  }
0x146: {  	v22 =	vadd.s32 v7, v19  }
0x147: {  	v23 =	vadd.s32 $0x8, v20;
	_ =	sdelay $0x3  }
0x148: {  	[tilespmem:v22+s23+$0x0] =	vst.idx.msk $0xffff, v21  }
0x149: {  	v21 =	vld.idx.msk [tilespmem:v23+s2+$0x0], $0xffff  }
0x14a: {  	v22 =	vadd.s32 v8, v19  }
0x14b: {  	v23 =	vadd.s32 $0x9, v20;
	_ =	sdelay $0x3  }
0x14c: {  	[tilespmem:v22+s23+$0x0] =	vst.idx.msk $0xffff, v21  }
0x14d: {  	v21 =	vld.idx.msk [tilespmem:v23+s2+$0x0], $0xffff  }
0x14e: {  	v22 =	vadd.s32 v9, v19  }
0x14f: {  	v23 =	vadd.s32 $0xA, v20;
	_ =	sdelay $0x3  }
0x150: {  	[tilespmem:v22+s23+$0x0] =	vst.idx.msk $0xffff, v21  }
0x151: {  	v21 =	vld.idx.msk [tilespmem:v23+s2+$0x0], $0xffff  }
0x152: {  	v22 =	vadd.s32 v10, v19  }
0x153: {  	v23 =	vadd.s32 $0xB, v20;
	_ =	sdelay $0x3  }
0x154: {  	[tilespmem:v22+s23+$0x0] =	vst.idx.msk $0xffff, v21  }
0x155: {  	v21 =	vld.idx.msk [tilespmem:v23+s2+$0x0], $0xffff  }
0x156: {  	v22 =	vadd.s32 v11, v19  }
0x157: {  	v23 =	vadd.s32 $0xC, v20;
	_ =	sdelay $0x3  }
0x158: {  	[tilespmem:v22+s23+$0x0] =	vst.idx.msk $0xffff, v21  }
0x159: {  	v21 =	vld.idx.msk [tilespmem:v23+s2+$0x0], $0xffff  }
0x15a: {  	v22 =	vadd.s32 v12, v19  }
0x15b: {  	v23 =	vadd.s32 $0xD, v20;
	_ =	sdelay $0x3  }
0x15c: {  	[tilespmem:v22+s23+$0x0] =	vst.idx.msk $0xffff, v21  }
0x15d: {  	v21 =	vld.idx.msk [tilespmem:v23+s2+$0x0], $0xffff  }
0x15e: {  	v22 =	vadd.s32 v13, v19  }
0x15f: {  	v23 =	vadd.s32 $0xE, v20;
	_ =	sdelay $0x3  }
0x160: {  	[tilespmem:v22+s23+$0x0] =	vst.idx.msk $0xffff, v21  }
0x161: {  	v21 =	vld.idx.msk [tilespmem:v23+s2+$0x0], $0xffff  }
0x162: {  	v22 =	vadd.s32 v14, v19  }
0x163: {  	v23 =	vadd.s32 $0xF, v20;
	_ =	sdelay $0x3  }
0x164: {  	[tilespmem:v22+s23+$0x0] =	vst.idx.msk $0xffff, v21  }
0x165: {  	v21 =	vld.idx.msk [tilespmem:v23+s2+$0x0], $0xffff  }
0x166: {  	v22 =	vadd.s32 v15, v19  }
0x167: {  	v23 =	vadd.s32 $0x10, v20;
	_ =	sdelay $0x3  }
0x168: {  	[tilespmem:v22+s23+$0x0] =	vst.idx.msk $0xffff, v21  }
0x169: {  	v21 =	vld.idx.msk [tilespmem:v23+s2+$0x0], $0xffff  }
0x16a: {  	v22 =	vadd.s32 v16, v19  }
0x16b: {  	v23 =	vadd.s32 $0x11, v20;
	_ =	sdelay $0x3  }
0x16c: {  	[tilespmem:v22+s23+$0x0] =	vst.idx.msk $0xffff, v21  }
0x16d: {  	v21 =	vld.idx.msk [tilespmem:v23+s2+$0x0], $0xffff  }
0x16e: {  	v22 =	vadd.s32 v17, v19  }
0x16f: {  	v20 =	vadd.s32 $0x12, v20;
	_ =	sdelay $0x1  }
.Ltmp3:
0x170: {  	(pc) =	sbr.rel @p0 .LBB2_9-.Ltmp3, $4  }
0x171: {  	_ = 	snop  }
0x172: {  	[tilespmem:v22+s23+$0x0] =	vst.idx.msk $0xffff, v21  }
0x173: {  	v20 =	vld.idx.msk [tilespmem:v20+s2+$0x0], $0xffff  }
0x174: {  	v19 =	vadd.s32 v18, v19  }
0x175: {  	_ =	sdelay $0x2  }
0x176: {  	s0 =	sshll.u32 s0, $0x4;
	s31 =	sadd.s32 $0x1, s31  }
0x177: {  	s3 =	sadd.s32 s0, s8;
	p0 =	sne.s32 s31, $0x19;
	[tilespmem:v19+s23+$0x0] =	vst.idx.msk $0xffff, v20  }
0x178: {  	[hbm4b:s3+s16] =	stream.strided.scatter [tilespmem:s23], [sflag:$0x6], $0x3000, s17, s16, $0x38;
	[tilespmem:$0x19AE0] =	vst v63  }
.Ltmp4:
0x179: {  	_ = 	snop;
	(pc) =	sbr.rel @p0 .LBB2_2-.Ltmp4, $4  }
0x17a: {  	_ =	swait.ge [sflag:s24], $0x8000  }
0x17b: {  	[sflag:s24] =	ssyncset.done $0x0  }
0x17c: {  	s0 =	sadd.s32 s6, s0;
	[sflag:s24] =	ssyncadd.s32 $0xFFFF8000  }
0x17d: {  	[hbm4b:s0+s19] =	stream.strided.scatter [tilespmem:s22], [sflag:$0x5], $0x8000, s17, s19, $0x38;
	[tilespmem:$0x19AE0] =	vst v63  }
0x17e: {  	s0 =	simm.s32 $0x2  }
0x17f: {  	_ =	swait.ge [sflag:s0], $0x8000  }
0x180: {  	[sflag:s0] =	ssyncset.done $0x0  }
0x181: {  	s26 =	simm.s32 $0x3;
	[sflag:s0] =	ssyncadd.s32 $0xFFFF8000  }
0x182: {  	_ =	swait.ge [sflag:s26], $0x3000  }
0x183: {  	[sflag:s26] =	ssyncset.done $0x0  }
0x184: {  	s28 =	simm.s32 $0x5;
	[sflag:s26] =	ssyncadd.s32 $0xFFFFD000  }
0x185: {  	_ =	swait.ge [sflag:s28], $0x8000  }
0x186: {  	[sflag:s28] =	ssyncset.done $0x0  }
0x187: {  	[sflag:s28] =	ssyncadd.s32 $0xFFFF8000  }
0x188: {  	_ =	swait.ge [sflag:s29], $0x3000  }
0x189: {  	s30 =	sadd.s32 $0x1, s30;
	s31 =	rddreg [dreg:$0x4]  }
0x18a: {  	p0 =	sne.s32 s30, s31  }
.Ltmp5:
0x18b: {  	_ = 	snop;
	(pc) =	sbr.rel @p0 .LBB2_1-.Ltmp5, $3  }
0x18c: {  	_ =	sdelay $0x1  }
0x18d: {  	[sflag:s29] =	ssyncset.done $0x0  }
0x18e: {  	[sflag:s29] =	ssyncadd.s32 $0xFFFFD000  }
0x18f: {  	_ =	sfence.sel $0x180000  }
0x190: {  	[bflag:$0x0] =	sbarrier.arrive $0xFFFF  }
0x191: {  	_ =	strace $0x90000047  }
0x192: {  	s0 =	stileid.u32;
	[bflag:$0x2] =	sbarrier.arrive $0xFFFF  }
0x193: {  	p0 =	sne.s32 s0, $0x0;
	s0 =	rddreg [dreg:$0x2]  }
0x194: {  	s0 =	sadd.s32 @!p0 $0x100000, s0  }
0x195: {  	[sflag:s0] =	ssyncadd.tile.s32 @!p0 $0x1;
	_ =	shalt  }
.Lfunc_end2:
_tile_overlayer_lowered:
.L_overlay_start_2:
0x196: {  	(tag) =	ssettag $0x2  }
0x197: {  	s0 =	rddreg [dreg:$0x0];
	s2 =	stileid.u32  }
0x198: {  	s1 =	rddreg [dreg:$0x1];
	p0 =	sne.s32 s2, $0x0  }
0x199: {  	s3 =	rddreg [dreg:$0x2];
	[bflag:$0x3] =	sbarrier.arrive $0xFFFF;
	s2 =	simm.s32 @!p0 $0x1C07  }
0x19a: {  	[timem:s3], [sflag:s2] =	dma.local @!p0 [hbm:s0], s1  }
0x19b: {  	s0 =	simm.s32 @!p0 $0x7  }
0x19c: {  	_ =	swait.ge @!p0 [sflag:s0], s1  }
0x19d: {  	s1 =	ssub.s32 @!p0 $0x0, s1;
	[sflag:s0] =	ssyncset.done @!p0 $0x0  }
0x19e: {  	[sflag:s0] =	ssyncadd.s32 @!p0 s1  }
0x19f: {  	[bflag:$0x3] =	sbarrier.arrive $0xFFFF  }
0x1a0: {  	_ =	shalt  }

// kernel: sparse-core-data-format-call.cloned.1.call-start
scs
called_computation_lowered:
.L_overlay_start_0:
0x0: {  	s2 =	sld [smem:$0x3FD9]  }
0x1: {  	s3 =	sld [smem:$0x3FFE];
	_ =	sdelay $0x1  }
0x2: {  	s1 =	srdreg.scid  }
0x3: {  	s0 =	sand.u32 $0x1, s1  }
0x4: {  	s18 =	sshll.u32 s0, $0xA;
	s2 =	sadd.s32 s3, s2  }
0x5: {  	s2 =	sadd.s32 s2, s18  }
0x6: {  	[smem:$0x3FC3] =	sst s2  }
0x7: {  	_ = 	snop  }
0x8: {  	s2 =	sld [smem:$0x3FD0];
	(tm) =	ssettm $0x1  }
0x9: {  	s19 =	sld [smem:$0x3FFB];
	_ =	sdelay $0x3  }
0xa: {  	_ =	strace s19  }
0xb: {  	s3 =	sld [smem:$0x3FFC];
	_ =	sdelay $0x3  }
0xc: {  	_ =	strace s3  }
0xd: {  	s3 =	sld [smem:$0x3FFD];
	_ =	sdelay $0x3  }
0xe: {  	_ =	strace s3  }
0xf: {  	_ =	strace $0x8FFFFFFF  }
0x10: {  	s20 =	sld [smem:$0x3FDB];
	_ =	sdelay $0x1  }
0x11: {  	s4 =	simm.s32 $_scs_section_size  }
0x12: {  	s5 =	simm.s32 $_size__tile_overlayer_lowered;
	s6 =	simm.s32 $_tile_overlayer_lowered  }
0x13: {  	s23 =	simm.s32 $0x1BFF;
	s22 =	sshll.u32 s6, $0x1;
	s3 =	sadd.s32 s4, s20  }
0x14: {  	s7 =	simm.s32 $0x0;
	s21 =	sshll.u32 s5, $0x1;
	s5 =	sadd.s32 s22, s3  }
0x15: {  	[timem:s7], [sflag:s23] =	dma.local [hbm:s5], s21  }
0x16: {  	_ =	swait.ge [sflag:s23], s21  }
0x17: {  	s4 =	ssub.s32 $0x0, s21;
	[sflag:s23] =	ssyncset.done $0x0  }
0x18: {  	[sflag:s23] =	ssyncadd.s32 s4;
	_ =	sdelay $0x1  }
0x19: {  	s24 =	simm.s32 $0x1B8B  }
0x1a: {  	_ =	swait.ge [sflag:s24], $0x1  }
0x1b: {  	[sflag:s24] =	ssyncset.done $0x0  }
0x1c: {  	s26 =	simm.s32 $0x1B8E;
	s25 =	sld [smem:$0x3FFE];
	[sflag:s24] =	ssyncadd.s32 $0xFFFFFFFF  }
0x1d: {  	s27 =	simm.s32 $execute0_lowered;
	[smem:$0x3FD2] =	sst s26  }
0x1e: {  	s5 =	sshll.u32 s27, $0x1;
	_ =	strace $0x80000049;
	[dreg:$0x1] =	wrdreg $0xFFFFFFFF  }
0x1f: {  	s28 =	simm.s32 $_size_execute0_lowered;
	s3 =	sadd.s32 s3, s5;
	[dreg:$0x0] =	wrdreg $0x0  }
0x20: {  	s5 =	sshll.u32 s28, $0x1;
	[dreg:$0x2] =	wrdreg s3  }
0x21: {  	[dreg:$0x3] =	wrdreg s5  }
0x22: {  	[dreg:$0x4] =	wrdreg $0xC0  }
0x23: {  	_ =	task [dreg:s7], $0x5FFFF  }
0x24: {  	[dreg:$0x1] =	wrdreg $0xFFFFFFFF  }
0x25: {  	[dreg:$0x0] =	wrdreg $0x60  }
0x26: {  	[dreg:$0x2] =	wrdreg s25  }
0x27: {  	[dreg:$0x3] =	wrdreg s2  }
0x28: {  	[dreg:$0x4] =	wrdreg $0x9  }
0x29: {  	_ =	task.clear_ibuf [dreg:s7], $0x5FFFF;
	_ =	strace $0x90000049  }
0x2a: {  	s29 =	simm.s32 $0x9;
	_ =	strace $0x8000004B  }
0x2b: {  	_ =	swait.ge [sflag:s29], $0x1  }
0x2c: {  	[sflag:s29] =	ssyncadd.s32 $0xFFFFFFFF  }
0x2d: {  	_ =	strace $0x9000004B  }
0x2e: {  	_ =	sfence  }
0x2f: {  	s30 =	sld [smem:$0x0];
	_ =	sdelay $0x2  }
0x30: {  	s31 =	sshll.u32 s1, $0xD;
	s1 =	sshrl.u32 s1, $0x2  }
0x31: {  	s3 =	sand.u32 $0x4000, s31;
	s1 =	sadd.s32 s1, s30  }
0x32: {  	s0 =	sor.u32 s3, s0;
	s1 =	sshll.u32 s1, $0x11  }
0x33: {  	s0 =	sor.u32 s1, s0  }
0x34: {  	s0 =	sadd.s32 $0x8F2B, s0  }
0x35: {  	[sflag:s0] =	ssyncadd.remote.s32 $0x1  }
0x36: {  	_ =	sfence.sel $0xFFFF  }
0x37: {  	[dreg:$0x0] =	wrdreg $0xFFFFFFFF;
	(pc) =	sbr.abs _section_cstart, $3  }
0x38: {  	[dreg:$0x1] =	wrdreg $0xFFFFFFFF  }
0x39: {  	_ =	task.clear_ibuf [dreg:s7], $0x2FFFF;
	_ =	strace $0x9FFFFFFF  }
0x3a: {  	(tm) =	ssettm $0x7FFFFFFF  }
0x3b: {  	_ =	shalt  }
tec
execute0_lowered:
.L_overlay_start_1:
0x0: {  	(tag) =	ssettag $0x1  }
0x1: {  	s0 =	srdreg.scid  }
0x2: {  	s1 =	sshll.u32 s0, $0x4  }
0x3: {  	s6 =	rddreg [dreg:$0x0];
	s0 =	stileid.u32;
	s1 =	sand.u32 $0x10, s1  }
0x4: {  	s3 =	rddreg [dreg:$0x1];
	s1 =	sor.u32 s0, s1  }
0x5: {  	s5 =	simm.s32 $0x1;
	s31 =	simm.s32 $0x2;
	s2 =	sshll.u32 s1, $0x7  }
0x6: {  	s15 =	simm.s32 $0x0;
	s8 =	simm.s32 $0xC8000;
	s4 =	ssub.s32 $0x1000, s2  }
0x7: {  	s14 =	simm.s32 $0x0;
	s9 =	simm.s32 $0x0;
	s30 =	sand.u32 $0xF80, s4  }
0x8: {  	s10 =	simm.s32 $0x0;
	s11 =	simm.s32 $0x0;
	p0 =	sne.s32 s30, $0x0  }
.Ltmp0:
0x9: {  	s7 =	sshrl.u32 s4, $0xC;
	s5 =	simm.s32 @!p0 $0x0;
	(pc) =	sbr.rel .LBB1_1-.Ltmp0, $4  }
0xa: {  	s13 =	simm.s32 $0x0;
	s1 =	rddreg [dreg:$0x2];
	s5 =	sadd.s32 s5, s7  }
0xb: {  	_ =	strace $0x8000004A;
	s4 =	simm.s32 $0x1;
	s5 =	smul.u32 $0xC8, s5  }
0xc: {  	s6 =	sadd.s32 $0x1A600, s6;
	s12 =	smov.u32 s2;
	[sflag:s4] =	ssyncpa.u1 $0x0  }
0xd: {  	[sflag:s31] =	ssyncpa.u1 $0x0;
	p0 =	por $0x0, $0x0;
	s7 =	sor.u32 $0x1, s5  }
.LBB1_4:
0xe: {  	s20 =	sshra.s32 s20, $0x2;
	s27 =	sshll.u32 s9, $0xC  }
0xf: {  	s21 =	sand.u32 $0x78, s10;
	s22 =	sshll.u32 s10, $0x3;
	s24 =	sshll.u32 s9, $0x7  }
0x10: {  	p1 =	sgt.s32 s9, $0xC7;
	s30 =	sshra.s32 s9, $0x1F;
	s25 =	sshra.s32 s10, $0x1F  }
0x11: {  	s19 =	sadd.s32 s20, s19;
	s20 =	sand.u32 $0xFFFF8000, s27;
	s23 =	sand.u32 $0xFFFFFC00, s22  }
0x12: {  	v5 =	vld [tilespmem:s17+$0xFFFFFFD0];
	[tilespmem:s18+$0x2040 ss:$0x81] =	vst.msk $0xffff, v4;
	s22 =	sand.u32 $0xC00, s22;
	s28 =	sand.u32 $0x380, s24;
	s31 =	sand.u32 s30, s9  }
0x13: {  	v58 =	vld [tilespmem:s17+$0xFFFFFFE0];
	[tilespmem:s18+$0x2850 ss:$0x81] =	vst.msk $0xffff, v3;
	s24 =	smov.u32 s10;
	s25 =	sand.u32 s25, s10;
	s20 =	sadd.s32 s23, s20  }
0x14: {  	v59 =	vld [tilespmem:s17+$0xFFFFFFF0];
	[tilespmem:s18+$0x3060 ss:$0x81] =	vst.msk $0xffff, v2;
	s21 =	sor.u32 s21, s22;
	s22 =	smov.u32 s9;
	s20 =	sshrl.u32 s20, $0xC  }
0x15: {  	v60 =	vld [tilespmem:s17+$0x0];
	[tilespmem:s18+$0x0 ss:$0x81] =	vst.msk $0xffff, v1;
	s22 =	simm.s32 @!p1 $0xC7;
	p1 =	sgt.s32 s10, $0xF80;
	s29 =	smulhi.u32 $0x147AE15, s20  }
0x16: {  	v61 =	vld [tilespmem:s17+$0x10];
	[tilespmem:s19+$0x3870 ss:$0x81] =	vst.msk $0xffff, v0;
	s21 =	sor.u32 s28, s21;
	s18 =	ssub.s32 s22, s31;
	s24 =	simm.s32 @!p1 $0xF80  }
0x17: {  	v62 =	vld [tilespmem:s17+$0x20];
	[tilespmem:s19+$0x810 ss:$0x81] =	vst.msk $0xffff, v5;
	s22 =	ssub.s32 s24, s25;
	s26 =	ssub.s32 $0xC8, s18;
	s23 =	smul.u32 $0xC8, s29  }
0x18: {  	v63 =	vld [tilespmem:s17+$0xFFFFFFC0];
	[tilespmem:s19+$0x1020 ss:$0x81] =	vst.msk $0xffff, v58;
	s27 =	sadd.s32 $0xFFFFFF39, s18;
	s18 =	smul.u32 $0x53, s26;
	s28 =	sadd.s32 $0xFFFFF080, s22  }
0x19: {  	[tilespmem:s19+$0x1830 ss:$0x81] =	vst.msk $0xffff, v59;
	p1 =	sgt.s32 s27, $0x0;
	s17 =	ssub.s32 $0x1000, s22;
	p2 =	sgt.s32 s28, $0x7F  }
0x1a: {  	s30 =	sand.u32 $0x7, s10;
	[tilespmem:s19+$0x2040 ss:$0x81] =	vst.msk $0xffff, v60;
	s18 =	simm.s32 @p1 $0x0;
	s17 =	simm.s32 @p2 $0x0  }
0x1b: {  	[tilespmem:s19+$0x2850 ss:$0x81] =	vst.msk $0xffff, v61;
	s29 =	sshrl.u32 s21, $0x3;
	s20 =	ssub.s32 s20, s23;
	s17 =	smul.u32 s17, s18  }
0x1c: {  	[tilespmem:s19+$0x3060 ss:$0x81] =	vst.msk $0xffff, v62;
	s21 =	sshll.u32 s30, $0x12;
	s20 =	sshll.u32 s20, $0x9;
	s18 =	sadd.s32 s3, s29  }
0x1d: {  	[tilespmem:s19+$0x0 ss:$0x81] =	vst.msk $0xffff, v63;
	s31 =	sor.u32 $0x80, s21;
	s18 =	sadd.s32 s20, s18;
	s17 =	sand.u32 $0x3FFFFFFF, s17  }
0x1e: {  	[hbm4b:s18+s31] =	stream.strided.scatter [tilespmem:s16], [sflag:$0x2], s17, s8, s31, $0x20;
	[tilespmem:$0x10100] =	vst v63  }
.LBB1_5:
0x1f: {  	p1 =	slt.u32 s13, $0x2  }
0x20: {  	s17 =	smov.u32 s15;
	p2 =	sgt.s32 @!p1 s15, $0xC7;
	s16 =	sshra.s32 @!p1 s15, $0x1F  }
0x21: {  	p3 =	sgt.s32 @!p1 s14, $0xF80;
	s18 =	sshra.s32 @!p1 s14, $0x1F;
	p2 =	por !p2, p1  }
0x22: {  	s15 =	sand.u32 @!p1 s16, s15;
	p3 =	por !p3, p1;
	s16 =	smov.u32 s14  }
0x23: {  	s14 =	sand.u32 @!p1 s18, s14;
	s17 =	simm.s32 @p2 $0xC7;
	s16 =	simm.s32 @p3 $0xF80  }
0x24: {  	s18 =	smov.u32 s12;
	s15 =	ssub.s32 @!p1 s17, s15;
	s14 =	ssub.s32 @!p1 s16, s14  }
0x25: {  	s16 =	sadd.s32 @!p1 $0xFFFFFF39, s15;
	s15 =	ssub.s32 @!p1 $0xC8, s15;
	s17 =	sadd.s32 @!p1 $0xFFFFF080, s14  }
0x26: {  	p2 =	sgt.s32 @!p1 s16, $0x0;
	s15 =	smul.u32 @!p1 $0x53, s15;
	p3 =	sgt.s32 @!p1 s17, $0x7F  }
0x27: {  	s14 =	ssub.s32 @!p1 $0x1000, s14;
	p2 =	por !p2, p1;
	p3 =	por !p3, p1  }
0x28: {  	s16 =	sadd.s32 $0x1, s11;
	s15 =	simm.s32 @!p2 $0x0;
	s14 =	simm.s32 @!p3 $0x0  }
0x29: {  	p2 =	sgt.s32 s16, $0xC7;
	s14 =	smul.u32 @!p1 s14, s15;
	s15 =	sadd.s32 $0x1000, s12  }
0x2a: {  	s18 =	smov.u32 @p2 s15  }
0x2b: {  	s16 =	simm.s32 @p2 $0x0;
	p2 =	sgt.s32 s18, $0xFFF  }
0x2c: {  	s18 =	smov.u32 @p2 s2;
	p2 =	sne.s32 s13, s7  }
.Ltmp1:
0x2d: {  	p0 =	por !p0, !p0;
	s17 =	simm.s32 @!p1 $0x2;
	(pc) =	sbr.rel @!p2 .LBB1_6-.Ltmp1, $4  }
0x2e: {  	s15 =	smov.u32 s9;
	s9 =	smov.u32 s11;
	s14 =	sand.u32 @!p1 $0x3FFFFFFF, s14  }
0x2f: {  	s11 =	smov.u32 s16;
	_ =	swait.ge @!p1 [sflag:s17], s14;
	s19 =	ssub.s32 @!p1 $0x0, s14  }
0x30: {  	s14 =	smov.u32 s10;
	s13 =	sadd.s32 $0x1, s13;
	[sflag:s17] =	ssyncset.done @!p1 $0x0  }
0x31: {  	s10 =	smov.u32 s12;
	s12 =	smov.u32 s18;
	[sflag:s17] =	ssyncadd.s32 @!p1 s19  }
.LBB1_1:
0x32: {  	p1 =	sge.u32 s13, s5  }
0x33: {  	s16 =	sand.u32 @!p1 $0x1FFFFFF, s11  }
0x34: {  	s17 =	smulhi.u32 @!p1 $0x147AE15, s16;
	_ =	sdelay $0x1  }
0x35: {  	s17 =	smul.u32 @!p1 $0xC8, s17  }
0x36: {  	s18 =	sxor.u32 @!p1 $0xFFFFFFFF, s13;
	s19 =	smul.u32 @!p1 $0xC80, s12  }
0x37: {  	s31 =	sadd.s32 $0xFFFFFFFF, s13;
	s18 =	sshll.u32 @!p1 s18, $0xE;
	s16 =	ssub.s32 @!p1 s16, s17  }
0x38: {  	s17 =	sand.u32 @!p1 $0x4000, s18;
	s18 =	sadd.s32 @!p1 s6, s19;
	s16 =	sshll.u32 @!p1 s16, $0x4  }
0x39: {  	s19 =	simm.s32 @!p1 $0x6400;
	s16 =	sadd.s32 @!p1 s16, s18;
	s18 =	simm.s32 @!p1 $0x80  }
0x3a: {  	[tilespmem:s17], [sflag:$0x1] =	stream.strided.gather @!p1 [hbm4b:s16+s18], $0x4000, s19, s18, $0x38;
	[tilespmem:$0x10100] =	vst v63  }
0x3b: {  	p1 =	sge.u32 s31, s5  }
.Ltmp2:
0x3c: {  	_ = 	snop;
	(pc) =	sbr.rel @p1 .LBB1_5-.Ltmp2, $1  }
0x3d: {  	_ =	sdelay $0x3  }
0x3e: {  	s16 =	simm.s32 $0x1  }
0x3f: {  	_ =	swait.ge [sflag:s4], $0x4000;
	s16 =	simm.s32 @!p0 $0x0  }
0x40: {  	[sflag:s4] =	ssyncset.done $0x0;
	s17 =	sshll.u32 s16, $0xE  }
0x41: {  	[sflag:s4] =	ssyncadd.s32 $0xFFFFC000;
	s17 =	sor.u32 $0x40, s17  }
0x42: {  	s16 =	smul.u32 $0x10200, s16;
	v0 =	vld [tilespmem:s17+$0x30]  }
0x43: {  	v1 =	vld [tilespmem:s17+$0xFFFFFFD0]  }
0x44: {  	s16 =	sshrl.u32 s16, $0x2;
	v5 =	vld [tilespmem:s17+$0xFFFFFFE0]  }
0x45: {  	v6 =	vld [tilespmem:s17+$0xFFFFFFF0];
	s19 =	sor.u32 $0x8000, s16  }
0x46: {  	s31 =	sand.u32 $0x1, s13;
	v4 =	vld [tilespmem:s17+$0x0];
	s18 =	sadd.s32 $0x0, s19  }
0x47: {  	v3 =	vld [tilespmem:s17+$0x10];
	s16 =	smul.u32 $0x10200, s31;
	[tilespmem:s18+$0x3870 ss:$0x81] =	vst.msk $0xffff, v0  }
0x48: {  	v2 =	vld [tilespmem:s17+$0x20];
	[tilespmem:s18+$0x810 ss:$0x81] =	vst.msk $0xffff, v1  }
0x49: {  	s16 =	sshrl.u32 s16, $0x2;
	v1 =	vld [tilespmem:s17+$0xFFFFFFC0];
	[tilespmem:s18+$0x1020 ss:$0x81] =	vst.msk $0xffff, v5;
	s17 =	sadd.s32 $0x80, s17  }
0x4a: {  	s20 =	simm.s32 $0x4;
	s21 =	simm.s32 $0x8;
	s16 =	sor.u32 $0x8000, s16;
	[tilespmem:s18+$0x1830 ss:$0x81] =	vst.msk $0xffff, v6;
	v0 =	vld [tilespmem:s17+$0x30]  }
.LBB1_3:
0x4b: {  	p1 =	sne.s32 s21, $0x1FC;
	v5 =	vld [tilespmem:s17+$0xFFFFFFD0];
	[tilespmem:s18+$0x2040 ss:$0x81] =	vst.msk $0xffff, v4  }
0x4c: {  	v6 =	vld [tilespmem:s17+$0xFFFFFFE0];
	[tilespmem:s18+$0x2850 ss:$0x81] =	vst.msk $0xffff, v3  }
0x4d: {  	s22 =	sshra.s32 s20, $0x2;
	s20 =	smov.u32 s21;
	v7 =	vld [tilespmem:s17+$0xFFFFFFF0];
	[tilespmem:s18+$0x3060 ss:$0x81] =	vst.msk $0xffff, v2  }
.Ltmp3:
0x4e: {  	v4 =	vld [tilespmem:s17+$0x0];
	[tilespmem:s18+$0x0 ss:$0x81] =	vst.msk $0xffff, v1;
	s18 =	sadd.s32 s22, s19;
	(pc) =	sbr.rel @p1 .LBB1_3-.Ltmp3, $4  }
0x4f: {  	v3 =	vld [tilespmem:s17+$0x10];
	[tilespmem:s18+$0x3870 ss:$0x81] =	vst.msk $0xffff, v0  }
0x50: {  	[tilespmem:s18+$0x810 ss:$0x81] =	vst.msk $0xffff, v5;
	v2 =	vld [tilespmem:s17+$0x20]  }
0x51: {  	v1 =	vld [tilespmem:s17+$0xFFFFFFC0];
	[tilespmem:s18+$0x1020 ss:$0x81] =	vst.msk $0xffff, v6;
	s17 =	sadd.s32 $0x80, s17  }
0x52: {  	s21 =	sadd.s32 $0x4, s21;
	v0 =	vld [tilespmem:s17+$0x30];
	[tilespmem:s18+$0x1830 ss:$0x81] =	vst.msk $0xffff, v7  }
.Ltmp4:
0x53: {  	_ = 	snop;
	(pc) =	sbr.rel .LBB1_4-.Ltmp4, $1  }
0x54: {  	_ =	sdelay $0x3  }
.LBB1_6:
0x55: {  	_ =	sfence.sel $0x180000  }
0x56: {  	s2 =	simm.s32 $0x1;
	[bflag:$0x0] =	sbarrier.arrive $0xFFFF  }
0x57: {  	s31 =	simm.s32 $0x2;
	[sflag:s2] =	ssyncpa.u1 $0x1  }
0x58: {  	[sflag:s31] =	ssyncpa.u1 $0x1  }
0x59: {  	p0 =	sne.s32 s0, $0x0;
	_ =	strace $0x9000004A  }
0x5a: {  	s0 =	sadd.s32 @!p0 $0x100000, s1;
	[bflag:$0x2] =	sbarrier.arrive $0xFFFF  }
0x5b: {  	[sflag:s0] =	ssyncadd.tile.s32 @!p0 $0x1;
	_ =	shalt  }
.Lfunc_end1:
_tile_overlayer_lowered:
.L_overlay_start_2:
0x5c: {  	(tag) =	ssettag $0x2  }
0x5d: {  	s0 =	rddreg [dreg:$0x0];
	s2 =	stileid.u32  }
0x5e: {  	s1 =	rddreg [dreg:$0x1];
	p0 =	sne.s32 s2, $0x0  }
0x5f: {  	s3 =	rddreg [dreg:$0x2];
	[bflag:$0x3] =	sbarrier.arrive $0xFFFF;
	s2 =	simm.s32 @!p0 $0x1C01  }
0x60: {  	[timem:s3], [sflag:s2] =	dma.local @!p0 [hbm:s0], s1  }
0x61: {  	s0 =	simm.s32 @!p0 $0x1  }
0x62: {  	_ =	swait.ge @!p0 [sflag:s0], s1  }
0x63: {  	s1 =	ssub.s32 @!p0 $0x0, s1;
	[sflag:s0] =	ssyncset.done @!p0 $0x0  }
0x64: {  	[sflag:s0] =	ssyncadd.s32 @!p0 s1  }
0x65: {  	[bflag:$0x3] =	sbarrier.arrive $0xFFFF  }
0x66: {  	_ =	shalt  }

</sc_bundles>
